<compile_context>
chip_gen: v7x
topology: tpu7x:2x2x1
jax: 0.10.2.dev20260603
libtpu: 0.0.44.dev20260713+nightly
codegen_flags: <defaults>
</compile_context>

<pallas_src>
import jax
import jax.numpy as jnp
from jax import lax
from jax.experimental import pallas as pl
from jax.experimental.pallas import tpu as pltpu
from jax.experimental.pallas import tpu_sc as plsc

_NQ = 1000
_NQP = 1024
_NT = 64
_NC = 91
_BIG = 2 ** 30


def _cost_kernel(labels_ref, logits_ref, pred_ref, tbox_ref,
                 cost_ref, cv_ref, cr_ref):
    onehot = (lax.broadcasted_iota(jnp.int32, (_NT, _NC), 1)
              == labels_ref[...]).astype(jnp.float32)
    gathered = jax.lax.dot_general(
        onehot, logits_ref[0], (((1,), (0,)), ((), ())),
        precision=jax.lax.Precision.HIGHEST,
        preferred_element_type=jnp.float32)
    cost_class = -jax.nn.sigmoid(gathered)

    pb = pred_ref[0]
    q_cx, q_cy = pb[0:1, :], pb[1:2, :]
    q_w, q_h = pb[2:3, :], pb[3:4, :]
    tb = tbox_ref[...]
    t_cx, t_cy = tb[:, 0:1], tb[:, 1:2]
    t_w, t_h = tb[:, 2:3], tb[:, 3:4]

    cost_bbox = ((jnp.abs(q_cx - t_cx) + jnp.abs(q_cy - t_cy))
                 + jnp.abs(q_w - t_w)) + jnp.abs(q_h - t_h)

    qx0, qy0 = q_cx - 0.5 * q_w, q_cy - 0.5 * q_h
    qx1, qy1 = q_cx + 0.5 * q_w, q_cy + 0.5 * q_h
    tx0, ty0 = t_cx - 0.5 * t_w, t_cy - 0.5 * t_h
    tx1, ty1 = t_cx + 0.5 * t_w, t_cy + 0.5 * t_h

    area_q = (qx1 - qx0) * (qy1 - qy0)
    area_t = (tx1 - tx0) * (ty1 - ty0)
    wx = jnp.maximum(jnp.minimum(qx1, tx1) - jnp.maximum(qx0, tx0), 0.0)
    wy = jnp.maximum(jnp.minimum(qy1, ty1) - jnp.maximum(qy0, ty0), 0.0)
    inter = wx * wy
    union = area_q + area_t - inter
    iou = inter / union
    ex = jnp.maximum(qx1, tx1) - jnp.minimum(qx0, tx0)
    ey = jnp.maximum(qy1, ty1) - jnp.minimum(qy0, ty0)
    area_e = jnp.maximum(ex, 0.0) * jnp.maximum(ey, 0.0)
    cost_giou = -(iou - (area_e - union) / area_e)

    cm = (cost_bbox + cost_class) + cost_giou
    riota = lax.broadcasted_iota(jnp.int32, (_NT, _NQP), 1)
    cm = jnp.where(riota >= _NQ, jnp.float32(jnp.inf), cm)
    cost_ref[0] = cm
    m = jnp.min(cm, axis=1, keepdims=True)
    cv_ref[0] = m
    cr_ref[0] = jnp.min(jnp.where(cm == m, riota, _BIG),
                        axis=1, keepdims=True)


def _sc_greedy(cost_hbm, cv_hbm, cr_hbm, rows_hbm, cols_hbm,
               w_v, cv_v, cr_v, rows_v, cols_v):
    b = lax.axis_index("s") * 2 + lax.axis_index("c")
    nb = cv_hbm.shape[0]
    iota16 = lax.iota(jnp.int32, 16)
    lane0 = iota16 == 0
    inf = jnp.float32(jnp.inf)

    def spl_i(x):
        return jnp.full((16,), x, jnp.int32)

    def spl_f(x):
        return jnp.full((16,), x, jnp.float32)

    def col_min(col):
        def body(k, carry):
            lmin, lrow = carry
            rows = k * 16 + iota16
            val = plsc.load_gather(w_v, [spl_i(col), rows])
            lt = val < lmin
            return jnp.where(lt, val, lmin), jnp.where(lt, rows, lrow)

        lmin, lrow = lax.fori_loop(0, _NQP // 16, body,
                                   (spl_f(inf), spl_i(_BIG)))
        m2 = jnp.min(lmin)
        r2 = jnp.min(jnp.where(lmin == m2, lrow, _BIG))
        return m2, r2

    @pl.when(b < nb)
    def _():
        pltpu.sync_copy(cost_hbm.at[b], w_v)
        pltpu.sync_copy(cv_hbm.at[b], cv_v)
        pltpu.sync_copy(cr_hbm.at[b], cr_v)
        cv = [cv_v[pl.ds(j * 16, 16)] for j in range(4)]
        cr = [cr_v[pl.ds(j * 16, 16)] for j in range(4)]

        def step(i, carry):
            cv0, cv1, cv2, cv3, cr0, cr1, cr2, cr3 = carry
            cvj = [cv0, cv1, cv2, cv3]
            crj = [cr0, cr1, cr2, cr3]
            vm = jnp.minimum(jnp.minimum(cvj[0], cvj[1]),
                             jnp.minimum(cvj[2], cvj[3]))
            m = jnp.min(vm)
            fm = spl_i(_BIG)
            for j in range(4):
                ci = j * 16 + iota16
                fm = jnp.minimum(
                    fm, jnp.where(cvj[j] == m, crj[j] * _NT + ci, _BIG))
            f = jnp.min(fm)
            r = f // _NT
            c = f - r * _NT

            plsc.store_scatter(rows_v, [spl_i(i)], spl_i(r), mask=lane0)
            plsc.store_scatter(cols_v, [spl_i(i)], spl_i(c), mask=lane0)
            for j in range(4):
                ci = j * 16 + iota16
                cvj[j] = jnp.where(ci == c, inf, cvj[j])
                plsc.store_scatter(w_v, [ci, spl_i(r)], spl_f(inf))
            stale = [(crj[j] == r) & (cvj[j] < inf) for j in range(4)]
            n_stale = jnp.max(jnp.maximum(
                jnp.maximum(stale[0].astype(jnp.int32),
                            stale[1].astype(jnp.int32)),
                jnp.maximum(stale[2].astype(jnp.int32),
                            stale[3].astype(jnp.int32))))

            def rescan(args):
                cvj, crj, stale = list(args[0]), list(args[1]), args[2]
                for j in range(4):
                    def scond(s):
                        return jnp.max(s[2].astype(jnp.int32)) > 0

                    def sbody(s):
                        cvx, crx, mask = s
                        jj = plsc.all_reduce_ffs(mask)
                        jj = jnp.min(jj) if getattr(jj, "ndim", 0) else jj
                        m2, r2 = col_min(j * 16 + jj)
                        cvx = jnp.where(iota16 == jj, m2, cvx)
                        crx = jnp.where(iota16 == jj, r2, crx)
                        return cvx, crx, mask & (iota16 != jj)

                    cvj[j], crj[j], _ = lax.while_loop(
                        scond, sbody, (cvj[j], crj[j], stale[j]))
                return tuple(cvj), tuple(crj)

            (cv0, cv1, cv2, cv3), (cr0, cr1, cr2, cr3) = lax.cond(
                n_stale > 0, rescan, lambda a: (a[0], a[1]),
                (tuple(cvj), tuple(crj), tuple(stale)))
            return cv0, cv1, cv2, cv3, cr0, cr1, cr2, cr3

        lax.fori_loop(0, _NT, step, tuple(cv) + tuple(cr))
        pltpu.sync_copy(rows_v, rows_hbm.at[b])
        pltpu.sync_copy(cols_v, cols_hbm.at[b])


def kernel(logits, pred_boxes, boxes, class_labels):
    bs = logits.shape[0]
    logits_t = jnp.pad(jnp.swapaxes(logits, 1, 2),
                       ((0, 0), (0, 0), (0, _NQP - _NQ)))
    pred_t = jnp.pad(jnp.swapaxes(pred_boxes, 1, 2),
                     ((0, 0), (0, 0), (0, _NQP - _NQ)))
    tbox = boxes[0]
    labels = class_labels[0].reshape(_NT, 1)

    cost, cv, cr = pl.pallas_call(
        _cost_kernel,
        grid=(bs,),
        in_specs=[
            pl.BlockSpec((_NT, 1), lambda b: (0, 0)),
            pl.BlockSpec((1, _NC, _NQP), lambda b: (b, 0, 0)),
            pl.BlockSpec((1, 4, _NQP), lambda b: (b, 0, 0)),
            pl.BlockSpec((_NT, 4), lambda b: (0, 0)),
        ],
        out_specs=[
            pl.BlockSpec((1, _NT, _NQP), lambda b: (b, 0, 0)),
            pl.BlockSpec((1, _NT, 1), lambda b: (b, 0, 0)),
            pl.BlockSpec((1, _NT, 1), lambda b: (b, 0, 0)),
        ],
        out_shape=[
            jax.ShapeDtypeStruct((bs, _NT, _NQP), jnp.float32),
            jax.ShapeDtypeStruct((bs, _NT, 1), jnp.float32),
            jax.ShapeDtypeStruct((bs, _NT, 1), jnp.int32),
        ],
    )(labels, logits_t, pred_t, tbox)

    mesh = plsc.VectorSubcoreMesh(core_axis_name="c", subcore_axis_name="s")
    rows, cols = pl.kernel(
        _sc_greedy,
        out_type=[jax.ShapeDtypeStruct((bs, _NT), jnp.int32)] * 2,
        mesh=mesh,
        scratch_types=[
            pltpu.VMEM((_NT, _NQP), jnp.float32),
            pltpu.VMEM((_NT,), jnp.float32),
            pltpu.VMEM((_NT,), jnp.int32),
            pltpu.VMEM((_NT,), jnp.int32),
            pltpu.VMEM((_NT,), jnp.int32),
        ],
        compiler_params=pltpu.CompilerParams(needs_layout_passes=False),
    )(cost, cv.reshape(bs, _NT), cr.reshape(bs, _NT))
    return rows, cols

# --- scband reference (transcript-rebuilt; emitter-appended) ---
"""Pipeline reference for scband-matcher-67319317397932 (READ-ONLY COPY).

The authoritative reference and input builder live on the scoring server;
editing this copy changes nothing except your own understanding.
"""

import jax, jax.numpy as jnp
import numpy as np

COST_CLASS = 1.0
COST_BBOX = 1.0
COST_GIOU = 1.0


def box_cxcywh_to_xyxy(b):
    cx, cy, w, h = b[..., 0], b[..., 1], b[..., 2], b[..., 3]
    return jnp.stack([cx - 0.5 * w, cy - 0.5 * h, cx + 0.5 * w, cy + 0.5 * h], axis=-1)


def generalized_box_iou(boxes1, boxes2):
    area1 = (boxes1[:, 2] - boxes1[:, 0]) * (boxes1[:, 3] - boxes1[:, 1])
    area2 = (boxes2[:, 2] - boxes2[:, 0]) * (boxes2[:, 3] - boxes2[:, 1])
    lt = jnp.maximum(boxes1[:, None, :2], boxes2[None, :, :2])
    rb = jnp.minimum(boxes1[:, None, 2:], boxes2[None, :, 2:])
    wh = jnp.clip(rb - lt, 0.0)
    inter = wh[..., 0] * wh[..., 1]
    union = area1[:, None] + area2[None, :] - inter
    iou = inter / union
    lt2 = jnp.minimum(boxes1[:, None, :2], boxes2[None, :, :2])
    rb2 = jnp.maximum(boxes1[:, None, 2:], boxes2[None, :, 2:])
    wh2 = jnp.clip(rb2 - lt2, 0.0)
    area = wh2[..., 0] * wh2[..., 1]
    return iou - (area - union) / area


def compute_cost_matrix(logits, pred_boxes, boxes, class_labels):
    bs, nq = logits.shape[:2]
    out_prob = jax.nn.sigmoid(logits.reshape(bs * nq, -1))
    out_bbox = pred_boxes.reshape(bs * nq, 4)
    tgt_ids = class_labels.reshape(-1)
    tgt_bbox = boxes.reshape(-1, 4)
    cost_class = -out_prob[:, tgt_ids]
    cost_bbox = jnp.sum(jnp.abs(out_bbox[:, None, :] - tgt_bbox[None, :, :]), axis=-1)
    cost_giou = -generalized_box_iou(box_cxcywh_to_xyxy(out_bbox), box_cxcywh_to_xyxy(tgt_bbox))
    cm = COST_BBOX * cost_bbox + COST_CLASS * cost_class + COST_GIOU * cost_giou
    return cm.reshape(bs, nq, -1)


def greedy_match(cost_matrix, sizes):
    # Faithful port of _greedy_matcher: stable sort of flattened costs, then
    # sequential greedy assignment skipping padded columns (c >= sizes[b]).
    bs, nq, nt = cost_matrix.shape
    curr = sizes[0]
    # Columns c >= curr are always skipped, so restrict to the first `curr`
    # columns; stable sort preserves the relative order of the kept entries.
    cm = cost_matrix[:, :, :curr]
    flat = cm.reshape(bs, nq * curr)
    sorted_idx = jnp.argsort(flat, axis=1, stable=True)
    rows_all = (sorted_idx // curr).astype(jnp.int32)
    cols_all = (sorted_idx % curr).astype(jnp.int32)
    max_possible = min(nq, curr)

    def one_batch(rows, cols):
        def step(state, rc):
            row_used, col_used, res_r, res_c, cnt = state
            r, c = rc
            valid = (~row_used[r]) & (~col_used[c]) & (cnt < max_possible)
            res_r = jnp.where(valid, res_r.at[cnt].set(r), res_r)
            res_c = jnp.where(valid, res_c.at[cnt].set(c), res_c)
            row_used = row_used.at[r].set(row_used[r] | valid)
            col_used = col_used.at[c].set(col_used[c] | valid)
            cnt = cnt + valid.astype(jnp.int32)
            return (row_used, col_used, res_r, res_c, cnt), None

        init = (
            jnp.zeros(nq, dtype=bool),
            jnp.zeros(curr, dtype=bool),
            jnp.zeros(max_possible, dtype=jnp.int32),
            jnp.zeros(max_possible, dtype=jnp.int32),
            jnp.int32(0),
        )
        (row_used, col_used, res_r, res_c, cnt), _ = jax.lax.scan(step, init, (rows, cols))
        return res_r, res_c

    rows_res, cols_res = jax.vmap(one_batch)(rows_all, cols_all)
    return rows_res, cols_res


def setup_inputs(seed: int = 0):
    key = jax.random.key(seed)
    k1, k2, k3, k4 = jax.random.split(key, 4)
    logits = jax.random.normal(k1, (8, 1000, 91), dtype=jnp.float32)
    pred_boxes = jax.random.uniform(k2, (8, 1000, 4), dtype=jnp.float32)
    boxes = jax.random.uniform(k3, (8, 64, 4), dtype=jnp.float32)
    class_labels = jax.random.randint(k4, (8, 64), 0, 91, dtype=jnp.int32)
    return {"logits": logits, "pred_boxes": pred_boxes, "boxes": boxes, "class_labels": class_labels}


def reference(logits, pred_boxes, boxes, class_labels):
    cm = compute_cost_matrix(logits, pred_boxes, boxes, class_labels)
    bs = class_labels.shape[0]
    sizes = [int(class_labels.shape[1])] * bs
    rows, cols = greedy_match(cm, sizes)
    return rows, cols

if __name__ == "__main__":
    import jax
    _d = setup_inputs()
    print(jax.jit(kernel)(*tuple(_d.values())))

</pallas_src>

<mosaic_0001>
#map = affine_map<(d0, d1) -> (0, 0, 0)>
#map1 = affine_map<(d0, d1) -> (0, 0)>
module attributes {stable_mosaic.version = 14 : i64} {
  func.func @_sc_greedy(%arg0: i32, %arg1: i32, %arg2: memref<8x64x1024xf32, #tpu.memory_space<hbm>>, %arg3: memref<8x64xf32, #tpu.memory_space<hbm>>, %arg4: memref<8x64xi32, #tpu.memory_space<hbm>>, %arg5: memref<8x64xi32, #tpu.memory_space<hbm>>, %arg6: memref<8x64xi32, #tpu.memory_space<hbm>>, %arg7: memref<64x1024xf32, #tpu.memory_space<vmem>>, %arg8: memref<64xf32, #tpu.memory_space<vmem>>, %arg9: memref<64xi32, #tpu.memory_space<vmem>>, %arg10: memref<64xi32, #tpu.memory_space<vmem>>, %arg11: memref<64xi32, #tpu.memory_space<vmem>>) attributes {dimension_semantics = [#tpu.dimension_semantics<core_parallel>, #tpu.dimension_semantics<subcore_parallel>], iteration_bounds = array<i64: 2, 16>, scalar_prefetch = 0 : i64, scratch_operands = 5 : i64, tpu.core_type = #tpu.core_type<sc_vector_subcore>, window_params = [{transform_indices = #map}, {transform_indices = #map1}, {transform_indices = #map1}, {transform_indices = #map1}, {transform_indices = #map1}]} {
    %mul3A = arith.constant 2 : i32
    %mul3A_0 = arith.muli %arg1, %mul3A : i32
    %add3A = arith.addi %mul3A_0, %arg0 : i32
    %iota3A = tpu.iota {dimensions = array<i32: 0>} : vector<16xi32>
    %eq3A = arith.constant 0 : i32
    %eq3A_1 = vector.broadcast %eq3A : i32 to vector<16xi32>
    %eq3A_2 = arith.cmpi eq, %iota3A, %eq3A_1 : vector<16xi32>
    %lt3A = arith.constant 8 : i32
    %lt3A_3 = arith.cmpi slt, %add3A, %lt3A : i32
    %convert_element_type3A = arith.extui %lt3A_3 : i1 to i32
    %cond3A = arith.constant 0x7F800000 : f32
    %cond3A_4 = arith.constant 0 : i32
    %cond3A_5 = arith.cmpi ne, %convert_element_type3A, %cond3A_4 : i32
    scf.if %cond3A_5 {
      "tpu.region"() ({
        %run_scoped3A = tpu.sem_alloc : memref<!tpu.dma_semaphore, #tpu.memory_space<semaphore_mem>>
        %dma_start3A = arith.constant 0 : i32
        %dma_start3A_26 = arith.constant 0 : i32
        %dma_start3A_27 = tpu.memref_slice %arg2[%add3A, %dma_start3A, %dma_start3A_26] : memref<8x64x1024xf32, #tpu.memory_space<hbm>> -> memref<1x64x1024xf32, #tpu.memory_space<hbm>>
        %dma_start3A_28 = tpu.memref_squeeze %dma_start3A_27 : memref<1x64x1024xf32, #tpu.memory_space<hbm>> -> memref<64x1024xf32, #tpu.memory_space<hbm>>
        %dma_start3A_29 = arith.constant 0 : i32
        %dma_start3A_30 = arith.constant 0 : i32
        %dma_start3A_31 = tpu.memref_slice %arg2[%add3A, %dma_start3A_29, %dma_start3A_30] : memref<8x64x1024xf32, #tpu.memory_space<hbm>> -> memref<1x64x1024xf32, #tpu.memory_space<hbm>>
        %dma_start3A_32 = tpu.memref_squeeze %dma_start3A_31 : memref<1x64x1024xf32, #tpu.memory_space<hbm>> -> memref<64x1024xf32, #tpu.memory_space<hbm>>
        tpu.enqueue_dma source(%dma_start3A_32 : memref<64x1024xf32, #tpu.memory_space<hbm>>) target(%arg7 : memref<64x1024xf32, #tpu.memory_space<vmem>>) target_semaphore(%run_scoped3A : memref<!tpu.dma_semaphore, #tpu.memory_space<semaphore_mem>>)
        %dma_wait3A = arith.constant 0 : i32
        %dma_wait3A_33 = arith.constant 0 : i32
        %dma_wait3A_34 = tpu.memref_slice %arg2[%add3A, %dma_wait3A, %dma_wait3A_33] : memref<8x64x1024xf32, #tpu.memory_space<hbm>> -> memref<1x64x1024xf32, #tpu.memory_space<hbm>>
        %dma_wait3A_35 = tpu.memref_squeeze %dma_wait3A_34 : memref<1x64x1024xf32, #tpu.memory_space<hbm>> -> memref<64x1024xf32, #tpu.memory_space<hbm>>
        %dma_wait3A_36 = arith.constant 0 : i32
        %dma_wait3A_37 = arith.constant 0 : i32
        %dma_wait3A_38 = tpu.memref_slice %arg2[%add3A, %dma_wait3A_36, %dma_wait3A_37] : memref<8x64x1024xf32, #tpu.memory_space<hbm>> -> memref<1x64x1024xf32, #tpu.memory_space<hbm>>
        %dma_wait3A_39 = tpu.memref_squeeze %dma_wait3A_38 : memref<1x64x1024xf32, #tpu.memory_space<hbm>> -> memref<64x1024xf32, #tpu.memory_space<hbm>>
        tpu.wait_dma2 semaphore(%run_scoped3A : memref<!tpu.dma_semaphore, #tpu.memory_space<semaphore_mem>>) src(%dma_wait3A_39 : memref<64x1024xf32, #tpu.memory_space<hbm>>) dst(%arg7 : memref<64x1024xf32, #tpu.memory_space<vmem>>)
        tpu.yield
      }) : () -> ()
      "tpu.region"() ({
        %run_scoped3A = tpu.sem_alloc : memref<!tpu.dma_semaphore, #tpu.memory_space<semaphore_mem>>
        %dma_start3A = arith.constant 0 : i32
        %dma_start3A_26 = tpu.memref_slice %arg3[%add3A, %dma_start3A] : memref<8x64xf32, #tpu.memory_space<hbm>> -> memref<1x64xf32, #tpu.memory_space<hbm>>
        %dma_start3A_27 = tpu.memref_squeeze %dma_start3A_26 : memref<1x64xf32, #tpu.memory_space<hbm>> -> memref<64xf32, #tpu.memory_space<hbm>>
        %dma_start3A_28 = arith.constant 0 : i32
        %dma_start3A_29 = tpu.memref_slice %arg3[%add3A, %dma_start3A_28] : memref<8x64xf32, #tpu.memory_space<hbm>> -> memref<1x64xf32, #tpu.memory_space<hbm>>
        %dma_start3A_30 = tpu.memref_squeeze %dma_start3A_29 : memref<1x64xf32, #tpu.memory_space<hbm>> -> memref<64xf32, #tpu.memory_space<hbm>>
        tpu.enqueue_dma source(%dma_start3A_30 : memref<64xf32, #tpu.memory_space<hbm>>) target(%arg8 : memref<64xf32, #tpu.memory_space<vmem>>) target_semaphore(%run_scoped3A : memref<!tpu.dma_semaphore, #tpu.memory_space<semaphore_mem>>)
        %dma_wait3A = arith.constant 0 : i32
        %dma_wait3A_31 = tpu.memref_slice %arg3[%add3A, %dma_wait3A] : memref<8x64xf32, #tpu.memory_space<hbm>> -> memref<1x64xf32, #tpu.memory_space<hbm>>
        %dma_wait3A_32 = tpu.memref_squeeze %dma_wait3A_31 : memref<1x64xf32, #tpu.memory_space<hbm>> -> memref<64xf32, #tpu.memory_space<hbm>>
        %dma_wait3A_33 = arith.constant 0 : i32
        %dma_wait3A_34 = tpu.memref_slice %arg3[%add3A, %dma_wait3A_33] : memref<8x64xf32, #tpu.memory_space<hbm>> -> memref<1x64xf32, #tpu.memory_space<hbm>>
        %dma_wait3A_35 = tpu.memref_squeeze %dma_wait3A_34 : memref<1x64xf32, #tpu.memory_space<hbm>> -> memref<64xf32, #tpu.memory_space<hbm>>
        tpu.wait_dma2 semaphore(%run_scoped3A : memref<!tpu.dma_semaphore, #tpu.memory_space<semaphore_mem>>) src(%dma_wait3A_35 : memref<64xf32, #tpu.memory_space<hbm>>) dst(%arg8 : memref<64xf32, #tpu.memory_space<vmem>>)
        tpu.yield
      }) : () -> ()
      "tpu.region"() ({
        %run_scoped3A = tpu.sem_alloc : memref<!tpu.dma_semaphore, #tpu.memory_space<semaphore_mem>>
        %dma_start3A = arith.constant 0 : i32
        %dma_start3A_26 = tpu.memref_slice %arg4[%add3A, %dma_start3A] : memref<8x64xi32, #tpu.memory_space<hbm>> -> memref<1x64xi32, #tpu.memory_space<hbm>>
        %dma_start3A_27 = tpu.memref_squeeze %dma_start3A_26 : memref<1x64xi32, #tpu.memory_space<hbm>> -> memref<64xi32, #tpu.memory_space<hbm>>
        %dma_start3A_28 = arith.constant 0 : i32
        %dma_start3A_29 = tpu.memref_slice %arg4[%add3A, %dma_start3A_28] : memref<8x64xi32, #tpu.memory_space<hbm>> -> memref<1x64xi32, #tpu.memory_space<hbm>>
        %dma_start3A_30 = tpu.memref_squeeze %dma_start3A_29 : memref<1x64xi32, #tpu.memory_space<hbm>> -> memref<64xi32, #tpu.memory_space<hbm>>
        tpu.enqueue_dma source(%dma_start3A_30 : memref<64xi32, #tpu.memory_space<hbm>>) target(%arg9 : memref<64xi32, #tpu.memory_space<vmem>>) target_semaphore(%run_scoped3A : memref<!tpu.dma_semaphore, #tpu.memory_space<semaphore_mem>>)
        %dma_wait3A = arith.constant 0 : i32
        %dma_wait3A_31 = tpu.memref_slice %arg4[%add3A, %dma_wait3A] : memref<8x64xi32, #tpu.memory_space<hbm>> -> memref<1x64xi32, #tpu.memory_space<hbm>>
        %dma_wait3A_32 = tpu.memref_squeeze %dma_wait3A_31 : memref<1x64xi32, #tpu.memory_space<hbm>> -> memref<64xi32, #tpu.memory_space<hbm>>
        %dma_wait3A_33 = arith.constant 0 : i32
        %dma_wait3A_34 = tpu.memref_slice %arg4[%add3A, %dma_wait3A_33] : memref<8x64xi32, #tpu.memory_space<hbm>> -> memref<1x64xi32, #tpu.memory_space<hbm>>
        %dma_wait3A_35 = tpu.memref_squeeze %dma_wait3A_34 : memref<1x64xi32, #tpu.memory_space<hbm>> -> memref<64xi32, #tpu.memory_space<hbm>>
        tpu.wait_dma2 semaphore(%run_scoped3A : memref<!tpu.dma_semaphore, #tpu.memory_space<semaphore_mem>>) src(%dma_wait3A_35 : memref<64xi32, #tpu.memory_space<hbm>>) dst(%arg9 : memref<64xi32, #tpu.memory_space<vmem>>)
        tpu.yield
      }) : () -> ()
      %get3A = arith.constant 0 : index
      %get3A_6 = tpu.vector_load %arg8[%get3A] {strides = array<i32>} : memref<64xf32, #tpu.memory_space<vmem>>, vector<16xf32>,
      %get3A_7 = arith.constant 16 : index
      %get3A_8 = tpu.vector_load %arg8[%get3A_7] {strides = array<i32>} : memref<64xf32, #tpu.memory_space<vmem>>, vector<16xf32>,
      %get3A_9 = arith.constant 32 : index
      %get3A_10 = tpu.vector_load %arg8[%get3A_9] {strides = array<i32>} : memref<64xf32, #tpu.memory_space<vmem>>, vector<16xf32>,
      %get3A_11 = arith.constant 48 : index
      %get3A_12 = tpu.vector_load %arg8[%get3A_11] {strides = array<i32>} : memref<64xf32, #tpu.memory_space<vmem>>, vector<16xf32>,
      %get3A_13 = arith.constant 0 : index
      %get3A_14 = tpu.vector_load %arg9[%get3A_13] {strides = array<i32>} : memref<64xi32, #tpu.memory_space<vmem>>, vector<16xi32>,
      %get3A_15 = arith.constant 16 : index
      %get3A_16 = tpu.vector_load %arg9[%get3A_15] {strides = array<i32>} : memref<64xi32, #tpu.memory_space<vmem>>, vector<16xi32>,
      %get3A_17 = arith.constant 32 : index
      %get3A_18 = tpu.vector_load %arg9[%get3A_17] {strides = array<i32>} : memref<64xi32, #tpu.memory_space<vmem>>, vector<16xi32>,
      %get3A_19 = arith.constant 48 : index
      %get3A_20 = tpu.vector_load %arg9[%get3A_19] {strides = array<i32>} : memref<64xi32, #tpu.memory_space<vmem>>, vector<16xi32>,
      %scan3A = arith.constant 0 : i32
      %scan3A_21 = arith.constant 64 : i32
      %scan3A_22 = arith.addi %scan3A, %scan3A_21 : i32
      %scan3A_23 = arith.constant 1 : i32
      %scan3A_24:8 = scf.for %scan3A_26 = %scan3A to %scan3A_22 step %scan3A_23 iter_args(%scan3A_27 = %get3A_6, %scan3A_28 = %get3A_8, %scan3A_29 = %get3A_10, %scan3A_30 = %get3A_12, %scan3A_31 = %get3A_14, %scan3A_32 = %get3A_16, %scan3A_33 = %get3A_18, %scan3A_34 = %get3A_20) -> (vector<16xf32>, vector<16xf32>, vector<16xf32>, vector<16xf32>, vector<16xi32>, vector<16xi32>, vector<16xi32>, vector<16xi32>)  : i32 {
        %min3A = arith.minimumf %scan3A_27, %scan3A_28 : vector<16xf32>
        %min3A_35 = arith.minimumf %scan3A_29, %scan3A_30 : vector<16xf32>
        %min3A_36 = arith.minimumf %min3A, %min3A_35 : vector<16xf32>
        %reduce_min3A = arith.constant true
        %reduce_min3A_37 = vector.broadcast %reduce_min3A : i1 to vector<16xi1>
        %reduce_min3A_38 = tpu.scan <min>, %min3A_36 masked %reduce_min3A_37 : vector<16xf32>, vector<16xi1> -> vector<16xf32>
        %reduce_min3A_39 = vector.extract %reduce_min3A_38[15] : f32 from vector<16xf32>
        %broadcast_in_dim3A = arith.constant 1073741824 : i32
        %broadcast_in_dim3A_40 = vector.broadcast %broadcast_in_dim3A : i32 to vector<16xi32>
        %add3A_41 = arith.constant 0 : i32
        %add3A_42 = vector.broadcast %add3A_41 : i32 to vector<16xi32>
        %add3A_43 = arith.addi %add3A_42, %iota3A : vector<16xi32>
        %eq3A_44 = vector.broadcast %reduce_min3A_39 : f32 to vector<16xf32>
        %eq3A_45 = arith.cmpf oeq, %scan3A_27, %eq3A_44 : vector<16xf32>
        %mul3A_46 = arith.constant 64 : i32
        %mul3A_47 = vector.broadcast %mul3A_46 : i32 to vector<16xi32>
        %mul3A_48 = arith.muli %scan3A_31, %mul3A_47 : vector<16xi32>
        %add3A_49 = arith.addi %mul3A_48, %add3A_43 : vector<16xi32>
        %jit3A = arith.constant 1073741824 : i32
        %broadcast_in_dim3A_50 = vector.broadcast %jit3A : i32 to vector<16xi32>
        %select_n3A = arith.select %eq3A_45, %add3A_49, %broadcast_in_dim3A_50 : vector<16xi1>, vector<16xi32>
        %min3A_51 = arith.minsi %broadcast_in_dim3A_40, %select_n3A : vector<16xi32>
        %add3A_52 = arith.constant 16 : i32
        %add3A_53 = vector.broadcast %add3A_52 : i32 to vector<16xi32>
        %add3A_54 = arith.addi %add3A_53, %iota3A : vector<16xi32>
        %eq3A_55 = vector.broadcast %reduce_min3A_39 : f32 to vector<16xf32>
        %eq3A_56 = arith.cmpf oeq, %scan3A_28, %eq3A_55 : vector<16xf32>
        %mul3A_57 = arith.constant 64 : i32
        %mul3A_58 = vector.broadcast %mul3A_57 : i32 to vector<16xi32>
        %mul3A_59 = arith.muli %scan3A_32, %mul3A_58 : vector<16xi32>
        %add3A_60 = arith.addi %mul3A_59, %add3A_54 : vector<16xi32>
        %jit3A_61 = arith.constant 1073741824 : i32
        %broadcast_in_dim3A_62 = vector.broadcast %jit3A_61 : i32 to vector<16xi32>
        %select_n3A_63 = arith.select %eq3A_56, %add3A_60, %broadcast_in_dim3A_62 : vector<16xi1>, vector<16xi32>
        %min3A_64 = arith.minsi %min3A_51, %select_n3A_63 : vector<16xi32>
        %add3A_65 = arith.constant 32 : i32
        %add3A_66 = vector.broadcast %add3A_65 : i32 to vector<16xi32>
        %add3A_67 = arith.addi %add3A_66, %iota3A : vector<16xi32>
        %eq3A_68 = vector.broadcast %reduce_min3A_39 : f32 to vector<16xf32>
        %eq3A_69 = arith.cmpf oeq, %scan3A_29, %eq3A_68 : vector<16xf32>
        %mul3A_70 = arith.constant 64 : i32
        %mul3A_71 = vector.broadcast %mul3A_70 : i32 to vector<16xi32>
        %mul3A_72 = arith.muli %scan3A_33, %mul3A_71 : vector<16xi32>
        %add3A_73 = arith.addi %mul3A_72, %add3A_67 : vector<16xi32>
        %jit3A_74 = arith.constant 1073741824 : i32
        %broadcast_in_dim3A_75 = vector.broadcast %jit3A_74 : i32 to vector<16xi32>
        %select_n3A_76 = arith.select %eq3A_69, %add3A_73, %broadcast_in_dim3A_75 : vector<16xi1>, vector<16xi32>
        %min3A_77 = arith.minsi %min3A_64, %select_n3A_76 : vector<16xi32>
        %add3A_78 = arith.constant 48 : i32
        %add3A_79 = vector.broadcast %add3A_78 : i32 to vector<16xi32>
        %add3A_80 = arith.addi %add3A_79, %iota3A : vector<16xi32>
        %eq3A_81 = vector.broadcast %reduce_min3A_39 : f32 to vector<16xf32>
        %eq3A_82 = arith.cmpf oeq, %scan3A_30, %eq3A_81 : vector<16xf32>
        %mul3A_83 = arith.constant 64 : i32
        %mul3A_84 = vector.broadcast %mul3A_83 : i32 to vector<16xi32>
        %mul3A_85 = arith.muli %scan3A_34, %mul3A_84 : vector<16xi32>
        %add3A_86 = arith.addi %mul3A_85, %add3A_80 : vector<16xi32>
        %jit3A_87 = arith.constant 1073741824 : i32
        %broadcast_in_dim3A_88 = vector.broadcast %jit3A_87 : i32 to vector<16xi32>
        %select_n3A_89 = arith.select %eq3A_82, %add3A_86, %broadcast_in_dim3A_88 : vector<16xi1>, vector<16xi32>
        %min3A_90 = arith.minsi %min3A_77, %select_n3A_89 : vector<16xi32>
        %reduce_min3A_91 = arith.constant true
        %reduce_min3A_92 = vector.broadcast %reduce_min3A_91 : i1 to vector<16xi1>
        %reduce_min3A_93 = arith.constant -2147483648 : i32
        %reduce_min3A_94 = vector.broadcast %reduce_min3A_93 : i32 to vector<16xi32>
        %reduce_min3A_95 = arith.xori %min3A_90, %reduce_min3A_94 : vector<16xi32>
        %reduce_min3A_96 = tpu.scan <min>, %reduce_min3A_95 masked %reduce_min3A_92 : vector<16xi32>, vector<16xi1> -> vector<16xi32>
        %reduce_min3A_97 = arith.xori %reduce_min3A_96, %reduce_min3A_94 : vector<16xi32>
        %reduce_min3A_98 = vector.extract %reduce_min3A_97[15] : i32 from vector<16xi32>
        %jit3A_99 = arith.constant 64 : i32
        %div3A = arith.divsi %reduce_min3A_98, %jit3A_99 : i32
        %sign3A = arith.constant 0 : i32
        %sign3A_100 = arith.cmpi sgt, %reduce_min3A_98, %sign3A : i32
        %sign3A_101 = arith.extui %sign3A_100 : i1 to i32
        %sign3A_102 = arith.constant 0 : i32
        %sign3A_103 = arith.cmpi slt, %reduce_min3A_98, %sign3A_102 : i32
        %sign3A_104 = arith.extui %sign3A_103 : i1 to i32
        %sign3A_105 = arith.subi %sign3A_101, %sign3A_104 : i32
        %sign3A_106 = arith.constant 0 : i32
        %sign3A_107 = arith.cmpi sgt, %jit3A_99, %sign3A_106 : i32
        %sign3A_108 = arith.extui %sign3A_107 : i1 to i32
        %sign3A_109 = arith.constant 0 : i32
        %sign3A_110 = arith.cmpi slt, %jit3A_99, %sign3A_109 : i32
        %sign3A_111 = arith.extui %sign3A_110 : i1 to i32
        %sign3A_112 = arith.subi %sign3A_108, %sign3A_111 : i32
        %ne3A = arith.cmpi ne, %sign3A_105, %sign3A_112 : i32
        %rem3A = arith.remsi %reduce_min3A_98, %jit3A_99 : i32
        %ne3A_113 = arith.constant 0 : i32
        %ne3A_114 = arith.cmpi ne, %rem3A, %ne3A_113 : i32
        %and3A = arith.andi %ne3A, %ne3A_114 : i1
        %sub3A = arith.constant 1 : i32
        %sub3A_115 = arith.subi %div3A, %sub3A : i32
        %select_n3A_116 = arith.select %and3A, %sub3A_115, %div3A : i32
        %mul3A_117 = arith.constant 64 : i32
        %mul3A_118 = arith.muli %select_n3A_116, %mul3A_117 : i32
        %sub3A_119 = arith.subi %reduce_min3A_98, %mul3A_118 : i32
        %broadcast_in_dim3A_120 = vector.broadcast %scan3A_26 : i32 to vector<16xi32>
        %broadcast_in_dim3A_121 = vector.broadcast %select_n3A_116 : i32 to vector<16xi32>
        tpu.vector_store_idx %arg10[%broadcast_in_dim3A_120], %broadcast_in_dim3A_121 masked %eq3A_2 : memref<64xi32, #tpu.memory_space<vmem>>[vector<16xi32>], vector<16xi32>, vector<16xi1>
        %broadcast_in_dim3A_122 = vector.broadcast %scan3A_26 : i32 to vector<16xi32>
        %broadcast_in_dim3A_123 = vector.broadcast %sub3A_119 : i32 to vector<16xi32>
        tpu.vector_store_idx %arg11[%broadcast_in_dim3A_122], %broadcast_in_dim3A_123 masked %eq3A_2 : memref<64xi32, #tpu.memory_space<vmem>>[vector<16xi32>], vector<16xi32>, vector<16xi1>
        %add3A_124 = arith.constant 0 : i32
        %add3A_125 = vector.broadcast %add3A_124 : i32 to vector<16xi32>
        %add3A_126 = arith.addi %add3A_125, %iota3A : vector<16xi32>
        %eq3A_127 = vector.broadcast %sub3A_119 : i32 to vector<16xi32>
        %eq3A_128 = arith.cmpi eq, %add3A_126, %eq3A_127 : vector<16xi32>
        %broadcast_in_dim3A_129 = vector.broadcast %cond3A : f32 to vector<16xf32>
        %select_n3A_130 = arith.select %eq3A_128, %broadcast_in_dim3A_129, %scan3A_27 : vector<16xi1>, vector<16xf32>
        %broadcast_in_dim3A_131 = vector.broadcast %select_n3A_116 : i32 to vector<16xi32>
        %broadcast_in_dim3A_132 = vector.broadcast %cond3A : f32 to vector<16xf32>
        tpu.vector_store_idx %arg7[%add3A_126, %broadcast_in_dim3A_131], %broadcast_in_dim3A_132 : memref<64x1024xf32, #tpu.memory_space<vmem>>[vector<16xi32>, vector<16xi32>], vector<16xf32>,
        %add3A_133 = arith.constant 16 : i32
        %add3A_134 = vector.broadcast %add3A_133 : i32 to vector<16xi32>
        %add3A_135 = arith.addi %add3A_134, %iota3A : vector<16xi32>
        %eq3A_136 = vector.broadcast %sub3A_119 : i32 to vector<16xi32>
        %eq3A_137 = arith.cmpi eq, %add3A_135, %eq3A_136 : vector<16xi32>
        %broadcast_in_dim3A_138 = vector.broadcast %cond3A : f32 to vector<16xf32>
        %select_n3A_139 = arith.select %eq3A_137, %broadcast_in_dim3A_138, %scan3A_28 : vector<16xi1>, vector<16xf32>
        %broadcast_in_dim3A_140 = vector.broadcast %select_n3A_116 : i32 to vector<16xi32>
        %broadcast_in_dim3A_141 = vector.broadcast %cond3A : f32 to vector<16xf32>
        tpu.vector_store_idx %arg7[%add3A_135, %broadcast_in_dim3A_140], %broadcast_in_dim3A_141 : memref<64x1024xf32, #tpu.memory_space<vmem>>[vector<16xi32>, vector<16xi32>], vector<16xf32>,
        %add3A_142 = arith.constant 32 : i32
        %add3A_143 = vector.broadcast %add3A_142 : i32 to vector<16xi32>
        %add3A_144 = arith.addi %add3A_143, %iota3A : vector<16xi32>
        %eq3A_145 = vector.broadcast %sub3A_119 : i32 to vector<16xi32>
        %eq3A_146 = arith.cmpi eq, %add3A_144, %eq3A_145 : vector<16xi32>
        %broadcast_in_dim3A_147 = vector.broadcast %cond3A : f32 to vector<16xf32>
        %select_n3A_148 = arith.select %eq3A_146, %broadcast_in_dim3A_147, %scan3A_29 : vector<16xi1>, vector<16xf32>
        %broadcast_in_dim3A_149 = vector.broadcast %select_n3A_116 : i32 to vector<16xi32>
        %broadcast_in_dim3A_150 = vector.broadcast %cond3A : f32 to vector<16xf32>
        tpu.vector_store_idx %arg7[%add3A_144, %broadcast_in_dim3A_149], %broadcast_in_dim3A_150 : memref<64x1024xf32, #tpu.memory_space<vmem>>[vector<16xi32>, vector<16xi32>], vector<16xf32>,
        %add3A_151 = arith.constant 48 : i32
        %add3A_152 = vector.broadcast %add3A_151 : i32 to vector<16xi32>
        %add3A_153 = arith.addi %add3A_152, %iota3A : vector<16xi32>
        %eq3A_154 = vector.broadcast %sub3A_119 : i32 to vector<16xi32>
        %eq3A_155 = arith.cmpi eq, %add3A_153, %eq3A_154 : vector<16xi32>
        %broadcast_in_dim3A_156 = vector.broadcast %cond3A : f32 to vector<16xf32>
        %select_n3A_157 = arith.select %eq3A_155, %broadcast_in_dim3A_156, %scan3A_30 : vector<16xi1>, vector<16xf32>
        %broadcast_in_dim3A_158 = vector.broadcast %select_n3A_116 : i32 to vector<16xi32>
        %broadcast_in_dim3A_159 = vector.broadcast %cond3A : f32 to vector<16xf32>
        tpu.vector_store_idx %arg7[%add3A_153, %broadcast_in_dim3A_158], %broadcast_in_dim3A_159 : memref<64x1024xf32, #tpu.memory_space<vmem>>[vector<16xi32>, vector<16xi32>], vector<16xf32>,
        %eq3A_160 = vector.broadcast %select_n3A_116 : i32 to vector<16xi32>
        %eq3A_161 = arith.cmpi eq, %scan3A_31, %eq3A_160 : vector<16xi32>
        %lt3A_162 = vector.broadcast %cond3A : f32 to vector<16xf32>
        %lt3A_163 = arith.cmpf olt, %select_n3A_130, %lt3A_162 : vector<16xf32>
        %and3A_164 = arith.andi %eq3A_161, %lt3A_163 : vector<16xi1>
        %eq3A_165 = vector.broadcast %select_n3A_116 : i32 to vector<16xi32>
        %eq3A_166 = arith.cmpi eq, %scan3A_32, %eq3A_165 : vector<16xi32>
        %lt3A_167 = vector.broadcast %cond3A : f32 to vector<16xf32>
        %lt3A_168 = arith.cmpf olt, %select_n3A_139, %lt3A_167 : vector<16xf32>
        %and3A_169 = arith.andi %eq3A_166, %lt3A_168 : vector<16xi1>
        %eq3A_170 = vector.broadcast %select_n3A_116 : i32 to vector<16xi32>
        %eq3A_171 = arith.cmpi eq, %scan3A_33, %eq3A_170 : vector<16xi32>
        %lt3A_172 = vector.broadcast %cond3A : f32 to vector<16xf32>
        %lt3A_173 = arith.cmpf olt, %select_n3A_148, %lt3A_172 : vector<16xf32>
        %and3A_174 = arith.andi %eq3A_171, %lt3A_173 : vector<16xi1>
        %eq3A_175 = vector.broadcast %select_n3A_116 : i32 to vector<16xi32>
        %eq3A_176 = arith.cmpi eq, %scan3A_34, %eq3A_175 : vector<16xi32>
        %lt3A_177 = vector.broadcast %cond3A : f32 to vector<16xf32>
        %lt3A_178 = arith.cmpf olt, %select_n3A_157, %lt3A_177 : vector<16xf32>
        %and3A_179 = arith.andi %eq3A_176, %lt3A_178 : vector<16xi1>
        %convert_element_type3A_180 = arith.extui %and3A_164 : vector<16xi1> to vector<16xi32>
        %convert_element_type3A_181 = arith.extui %and3A_169 : vector<16xi1> to vector<16xi32>
        %max3A = arith.maxsi %convert_element_type3A_180, %convert_element_type3A_181 : vector<16xi32>
        %convert_element_type3A_182 = arith.extui %and3A_174 : vector<16xi1> to vector<16xi32>
        %convert_element_type3A_183 = arith.extui %and3A_179 : vector<16xi1> to vector<16xi32>
        %max3A_184 = arith.maxsi %convert_element_type3A_182, %convert_element_type3A_183 : vector<16xi32>
        %max3A_185 = arith.maxsi %max3A, %max3A_184 : vector<16xi32>
        %reduce_max3A = arith.constant true
        %reduce_max3A_186 = vector.broadcast %reduce_max3A : i1 to vector<16xi1>
        %reduce_max3A_187 = arith.constant -2147483648 : i32
        %reduce_max3A_188 = vector.broadcast %reduce_max3A_187 : i32 to vector<16xi32>
        %reduce_max3A_189 = arith.xori %max3A_185, %reduce_max3A_188 : vector<16xi32>
        %reduce_max3A_190 = tpu.scan <max>, %reduce_max3A_189 masked %reduce_max3A_186 : vector<16xi32>, vector<16xi1> -> vector<16xi32>
        %reduce_max3A_191 = arith.xori %reduce_max3A_190, %reduce_max3A_188 : vector<16xi32>
        %reduce_max3A_192 = vector.extract %reduce_max3A_191[15] : i32 from vector<16xi32>
        %gt3A = arith.constant 0 : i32
        %gt3A_193 = arith.cmpi sgt, %reduce_max3A_192, %gt3A : i32
        %convert_element_type3A_194 = arith.extui %gt3A_193 : i1 to i32
        %cond3A_195 = arith.constant 0 : i32
        %cond3A_196 = arith.cmpi ne, %convert_element_type3A_194, %cond3A_195 : i32
        %cond3A_197:8 = scf.if %cond3A_196 -> (vector<16xf32>, vector<16xf32>, vector<16xf32>, vector<16xf32>, vector<16xi32>, vector<16xi32>, vector<16xi32>, vector<16xi32>) {
          %while3A:3 = scf.while (%while3A_201 = %select_n3A_130, %while3A_202 = %scan3A_31, %while3A_203 = %and3A_164) : (vector<16xf32>, vector<16xi32>, vector<16xi1>) -> (vector<16xf32>, vector<16xi32>, vector<16xi1>) {
            %convert_element_type3A_204 = arith.extui %while3A_203 : vector<16xi1> to vector<16xi32>
            %reduce_max3A_205 = arith.constant true
            %reduce_max3A_206 = vector.broadcast %reduce_max3A_205 : i1 to vector<16xi1>
            %reduce_max3A_207 = arith.constant -2147483648 : i32
            %reduce_max3A_208 = vector.broadcast %reduce_max3A_207 : i32 to vector<16xi32>
            %reduce_max3A_209 = arith.xori %convert_element_type3A_204, %reduce_max3A_208 : vector<16xi32>
            %reduce_max3A_210 = tpu.scan <max>, %reduce_max3A_209 masked %reduce_max3A_206 : vector<16xi32>, vector<16xi1> -> vector<16xi32>
            %reduce_max3A_211 = arith.xori %reduce_max3A_210, %reduce_max3A_208 : vector<16xi32>
            %reduce_max3A_212 = vector.extract %reduce_max3A_211[15] : i32 from vector<16xi32>
            %gt3A_213 = arith.constant 0 : i32
            %gt3A_214 = arith.cmpi sgt, %reduce_max3A_212, %gt3A_213 : i32
            scf.condition(%gt3A_214) %while3A_201, %while3A_202, %while3A_203 : vector<16xf32>, vector<16xi32>, vector<16xi1>
          } do {
          ^bb0(%while3A_201: vector<16xf32>, %while3A_202: vector<16xi32>, %while3A_203: vector<16xi1>):
            %all_reduce_ffs3A = tpu.all_reduce %while3A_203 {dim = 0 : i64, kind = #tpu.reduction_kind<find_first_set>} : vector<16xi1> -> vector<16xi32>
            %reduce_min3A_204 = arith.constant true
            %reduce_min3A_205 = vector.broadcast %reduce_min3A_204 : i1 to vector<16xi1>
            %reduce_min3A_206 = arith.constant -2147483648 : i32
            %reduce_min3A_207 = vector.broadcast %reduce_min3A_206 : i32 to vector<16xi32>
            %reduce_min3A_208 = arith.xori %all_reduce_ffs3A, %reduce_min3A_207 : vector<16xi32>
            %reduce_min3A_209 = tpu.scan <min>, %reduce_min3A_208 masked %reduce_min3A_205 : vector<16xi32>, vector<16xi1> -> vector<16xi32>
            %reduce_min3A_210 = arith.xori %reduce_min3A_209, %reduce_min3A_207 : vector<16xi32>
            %reduce_min3A_211 = vector.extract %reduce_min3A_210[15] : i32 from vector<16xi32>
            %add3A_212 = arith.constant 0 : i32
            %add3A_213 = arith.addi %add3A_212, %reduce_min3A_211 : i32
            %broadcast_in_dim3A_214 = vector.broadcast %cond3A : f32 to vector<16xf32>
            %broadcast_in_dim3A_215 = arith.constant 1073741824 : i32
            %broadcast_in_dim3A_216 = vector.broadcast %broadcast_in_dim3A_215 : i32 to vector<16xi32>
            %scan3A_217 = arith.constant 0 : i32
            %scan3A_218 = arith.constant 64 : i32
            %scan3A_219 = arith.addi %scan3A_217, %scan3A_218 : i32
            %scan3A_220 = arith.constant 1 : i32
            %scan3A_221:2 = scf.for %scan3A_251 = %scan3A_217 to %scan3A_219 step %scan3A_220 iter_args(%scan3A_252 = %broadcast_in_dim3A_214, %scan3A_253 = %broadcast_in_dim3A_216) -> (vector<16xf32>, vector<16xi32>)  : i32 {
              %mul3A_254 = arith.constant 16 : i32
              %mul3A_255 = arith.muli %scan3A_251, %mul3A_254 : i32
              %add3A_256 = vector.broadcast %mul3A_255 : i32 to vector<16xi32>
              %add3A_257 = arith.addi %add3A_256, %iota3A : vector<16xi32>
              %broadcast_in_dim3A_258 = vector.broadcast %add3A_213 : i32 to vector<16xi32>
              %gather3A = tpu.vector_load_idx %arg7[%broadcast_in_dim3A_258, %add3A_257] : memref<64x1024xf32, #tpu.memory_space<vmem>>[vector<16xi32>, vector<16xi32>], vector<16xf32>,
              %lt3A_259 = arith.cmpf olt, %gather3A, %scan3A_252 : vector<16xf32>
              %select_n3A_260 = arith.select %lt3A_259, %gather3A, %scan3A_252 : vector<16xi1>, vector<16xf32>
              %select_n3A_261 = arith.select %lt3A_259, %add3A_257, %scan3A_253 : vector<16xi1>, vector<16xi32>
              scf.yield %select_n3A_260, %select_n3A_261 : vector<16xf32>, vector<16xi32>
            }
            %scan3A_222 = arith.constant 64 : i32
            %reduce_min3A_223 = arith.constant true
            %reduce_min3A_224 = vector.broadcast %reduce_min3A_223 : i1 to vector<16xi1>
            %reduce_min3A_225 = tpu.scan <min>, %scan3A_221#0 masked %reduce_min3A_224 : vector<16xf32>, vector<16xi1> -> vector<16xf32>
            %reduce_min3A_226 = vector.extract %reduce_min3A_225[15] : f32 from vector<16xf32>
            %eq3A_227 = vector.broadcast %reduce_min3A_226 : f32 to vector<16xf32>
            %eq3A_228 = arith.cmpf oeq, %scan3A_221#0, %eq3A_227 : vector<16xf32>
            %jit3A_229 = arith.constant 1073741824 : i32
            %broadcast_in_dim3A_230 = vector.broadcast %jit3A_229 : i32 to vector<16xi32>
            %select_n3A_231 = arith.select %eq3A_228, %scan3A_221#1, %broadcast_in_dim3A_230 : vector<16xi1>, vector<16xi32>
            %reduce_min3A_232 = arith.constant true
            %reduce_min3A_233 = vector.broadcast %reduce_min3A_232 : i1 to vector<16xi1>
            %reduce_min3A_234 = arith.constant -2147483648 : i32
            %reduce_min3A_235 = vector.broadcast %reduce_min3A_234 : i32 to vector<16xi32>
            %reduce_min3A_236 = arith.xori %select_n3A_231, %reduce_min3A_235 : vector<16xi32>
            %reduce_min3A_237 = tpu.scan <min>, %reduce_min3A_236 masked %reduce_min3A_233 : vector<16xi32>, vector<16xi1> -> vector<16xi32>
            %reduce_min3A_238 = arith.xori %reduce_min3A_237, %reduce_min3A_235 : vector<16xi32>
            %reduce_min3A_239 = vector.extract %reduce_min3A_238[15] : i32 from vector<16xi32>
            %eq3A_240 = vector.broadcast %reduce_min3A_211 : i32 to vector<16xi32>
            %eq3A_241 = arith.cmpi eq, %iota3A, %eq3A_240 : vector<16xi32>
            %broadcast_in_dim3A_242 = vector.broadcast %reduce_min3A_226 : f32 to vector<16xf32>
            %select_n3A_243 = arith.select %eq3A_241, %broadcast_in_dim3A_242, %while3A_201 : vector<16xi1>, vector<16xf32>
            %eq3A_244 = vector.broadcast %reduce_min3A_211 : i32 to vector<16xi32>
            %eq3A_245 = arith.cmpi eq, %iota3A, %eq3A_244 : vector<16xi32>
            %broadcast_in_dim3A_246 = vector.broadcast %reduce_min3A_239 : i32 to vector<16xi32>
            %select_n3A_247 = arith.select %eq3A_245, %broadcast_in_dim3A_246, %while3A_202 : vector<16xi1>, vector<16xi32>
            %ne3A_248 = vector.broadcast %reduce_min3A_211 : i32 to vector<16xi32>
            %ne3A_249 = arith.cmpi ne, %iota3A, %ne3A_248 : vector<16xi32>
            %and3A_250 = arith.andi %while3A_203, %ne3A_249 : vector<16xi1>
            scf.yield %select_n3A_243, %select_n3A_247, %and3A_250 : vector<16xf32>, vector<16xi32>, vector<16xi1>
          }
          %while3A_198:3 = scf.while (%while3A_201 = %select_n3A_139, %while3A_202 = %scan3A_32, %while3A_203 = %and3A_169) : (vector<16xf32>, vector<16xi32>, vector<16xi1>) -> (vector<16xf32>, vector<16xi32>, vector<16xi1>) {
            %convert_element_type3A_204 = arith.extui %while3A_203 : vector<16xi1> to vector<16xi32>
            %reduce_max3A_205 = arith.constant true
            %reduce_max3A_206 = vector.broadcast %reduce_max3A_205 : i1 to vector<16xi1>
            %reduce_max3A_207 = arith.constant -2147483648 : i32
            %reduce_max3A_208 = vector.broadcast %reduce_max3A_207 : i32 to vector<16xi32>
            %reduce_max3A_209 = arith.xori %convert_element_type3A_204, %reduce_max3A_208 : vector<16xi32>
            %reduce_max3A_210 = tpu.scan <max>, %reduce_max3A_209 masked %reduce_max3A_206 : vector<16xi32>, vector<16xi1> -> vector<16xi32>
            %reduce_max3A_211 = arith.xori %reduce_max3A_210, %reduce_max3A_208 : vector<16xi32>
            %reduce_max3A_212 = vector.extract %reduce_max3A_211[15] : i32 from vector<16xi32>
            %gt3A_213 = arith.constant 0 : i32
            %gt3A_214 = arith.cmpi sgt, %reduce_max3A_212, %gt3A_213 : i32
            scf.condition(%gt3A_214) %while3A_201, %while3A_202, %while3A_203 : vector<16xf32>, vector<16xi32>, vector<16xi1>
          } do {
          ^bb0(%while3A_201: vector<16xf32>, %while3A_202: vector<16xi32>, %while3A_203: vector<16xi1>):
            %all_reduce_ffs3A = tpu.all_reduce %while3A_203 {dim = 0 : i64, kind = #tpu.reduction_kind<find_first_set>} : vector<16xi1> -> vector<16xi32>
            %reduce_min3A_204 = arith.constant true
            %reduce_min3A_205 = vector.broadcast %reduce_min3A_204 : i1 to vector<16xi1>
            %reduce_min3A_206 = arith.constant -2147483648 : i32
            %reduce_min3A_207 = vector.broadcast %reduce_min3A_206 : i32 to vector<16xi32>
            %reduce_min3A_208 = arith.xori %all_reduce_ffs3A, %reduce_min3A_207 : vector<16xi32>
            %reduce_min3A_209 = tpu.scan <min>, %reduce_min3A_208 masked %reduce_min3A_205 : vector<16xi32>, vector<16xi1> -> vector<16xi32>
            %reduce_min3A_210 = arith.xori %reduce_min3A_209, %reduce_min3A_207 : vector<16xi32>
            %reduce_min3A_211 = vector.extract %reduce_min3A_210[15] : i32 from vector<16xi32>
            %add3A_212 = arith.constant 16 : i32
            %add3A_213 = arith.addi %add3A_212, %reduce_min3A_211 : i32
            %broadcast_in_dim3A_214 = vector.broadcast %cond3A : f32 to vector<16xf32>
            %broadcast_in_dim3A_215 = arith.constant 1073741824 : i32
            %broadcast_in_dim3A_216 = vector.broadcast %broadcast_in_dim3A_215 : i32 to vector<16xi32>
            %scan3A_217 = arith.constant 0 : i32
            %scan3A_218 = arith.constant 64 : i32
            %scan3A_219 = arith.addi %scan3A_217, %scan3A_218 : i32
            %scan3A_220 = arith.constant 1 : i32
            %scan3A_221:2 = scf.for %scan3A_251 = %scan3A_217 to %scan3A_219 step %scan3A_220 iter_args(%scan3A_252 = %broadcast_in_dim3A_214, %scan3A_253 = %broadcast_in_dim3A_216) -> (vector<16xf32>, vector<16xi32>)  : i32 {
              %mul3A_254 = arith.constant 16 : i32
              %mul3A_255 = arith.muli %scan3A_251, %mul3A_254 : i32
              %add3A_256 = vector.broadcast %mul3A_255 : i32 to vector<16xi32>
              %add3A_257 = arith.addi %add3A_256, %iota3A : vector<16xi32>
              %broadcast_in_dim3A_258 = vector.broadcast %add3A_213 : i32 to vector<16xi32>
              %gather3A = tpu.vector_load_idx %arg7[%broadcast_in_dim3A_258, %add3A_257] : memref<64x1024xf32, #tpu.memory_space<vmem>>[vector<16xi32>, vector<16xi32>], vector<16xf32>,
              %lt3A_259 = arith.cmpf olt, %gather3A, %scan3A_252 : vector<16xf32>
              %select_n3A_260 = arith.select %lt3A_259, %gather3A, %scan3A_252 : vector<16xi1>, vector<16xf32>
              %select_n3A_261 = arith.select %lt3A_259, %add3A_257, %scan3A_253 : vector<16xi1>, vector<16xi32>
              scf.yield %select_n3A_260, %select_n3A_261 : vector<16xf32>, vector<16xi32>
            }
            %scan3A_222 = arith.constant 64 : i32
            %reduce_min3A_223 = arith.constant true
            %reduce_min3A_224 = vector.broadcast %reduce_min3A_223 : i1 to vector<16xi1>
            %reduce_min3A_225 = tpu.scan <min>, %scan3A_221#0 masked %reduce_min3A_224 : vector<16xf32>, vector<16xi1> -> vector<16xf32>
            %reduce_min3A_226 = vector.extract %reduce_min3A_225[15] : f32 from vector<16xf32>
            %eq3A_227 = vector.broadcast %reduce_min3A_226 : f32 to vector<16xf32>
            %eq3A_228 = arith.cmpf oeq, %scan3A_221#0, %eq3A_227 : vector<16xf32>
            %jit3A_229 = arith.constant 1073741824 : i32
            %broadcast_in_dim3A_230 = vector.broadcast %jit3A_229 : i32 to vector<16xi32>
            %select_n3A_231 = arith.select %eq3A_228, %scan3A_221#1, %broadcast_in_dim3A_230 : vector<16xi1>, vector<16xi32>
            %reduce_min3A_232 = arith.constant true
            %reduce_min3A_233 = vector.broadcast %reduce_min3A_232 : i1 to vector<16xi1>
            %reduce_min3A_234 = arith.constant -2147483648 : i32
            %reduce_min3A_235 = vector.broadcast %reduce_min3A_234 : i32 to vector<16xi32>
            %reduce_min3A_236 = arith.xori %select_n3A_231, %reduce_min3A_235 : vector<16xi32>
            %reduce_min3A_237 = tpu.scan <min>, %reduce_min3A_236 masked %reduce_min3A_233 : vector<16xi32>, vector<16xi1> -> vector<16xi32>
            %reduce_min3A_238 = arith.xori %reduce_min3A_237, %reduce_min3A_235 : vector<16xi32>
            %reduce_min3A_239 = vector.extract %reduce_min3A_238[15] : i32 from vector<16xi32>
            %eq3A_240 = vector.broadcast %reduce_min3A_211 : i32 to vector<16xi32>
            %eq3A_241 = arith.cmpi eq, %iota3A, %eq3A_240 : vector<16xi32>
            %broadcast_in_dim3A_242 = vector.broadcast %reduce_min3A_226 : f32 to vector<16xf32>
            %select_n3A_243 = arith.select %eq3A_241, %broadcast_in_dim3A_242, %while3A_201 : vector<16xi1>, vector<16xf32>
            %eq3A_244 = vector.broadcast %reduce_min3A_211 : i32 to vector<16xi32>
            %eq3A_245 = arith.cmpi eq, %iota3A, %eq3A_244 : vector<16xi32>
            %broadcast_in_dim3A_246 = vector.broadcast %reduce_min3A_239 : i32 to vector<16xi32>
            %select_n3A_247 = arith.select %eq3A_245, %broadcast_in_dim3A_246, %while3A_202 : vector<16xi1>, vector<16xi32>
            %ne3A_248 = vector.broadcast %reduce_min3A_211 : i32 to vector<16xi32>
            %ne3A_249 = arith.cmpi ne, %iota3A, %ne3A_248 : vector<16xi32>
            %and3A_250 = arith.andi %while3A_203, %ne3A_249 : vector<16xi1>
            scf.yield %select_n3A_243, %select_n3A_247, %and3A_250 : vector<16xf32>, vector<16xi32>, vector<16xi1>
          }
          %while3A_199:3 = scf.while (%while3A_201 = %select_n3A_148, %while3A_202 = %scan3A_33, %while3A_203 = %and3A_174) : (vector<16xf32>, vector<16xi32>, vector<16xi1>) -> (vector<16xf32>, vector<16xi32>, vector<16xi1>) {
            %convert_element_type3A_204 = arith.extui %while3A_203 : vector<16xi1> to vector<16xi32>
            %reduce_max3A_205 = arith.constant true
            %reduce_max3A_206 = vector.broadcast %reduce_max3A_205 : i1 to vector<16xi1>
            %reduce_max3A_207 = arith.constant -2147483648 : i32
            %reduce_max3A_208 = vector.broadcast %reduce_max3A_207 : i32 to vector<16xi32>
            %reduce_max3A_209 = arith.xori %convert_element_type3A_204, %reduce_max3A_208 : vector<16xi32>
            %reduce_max3A_210 = tpu.scan <max>, %reduce_max3A_209 masked %reduce_max3A_206 : vector<16xi32>, vector<16xi1> -> vector<16xi32>
            %reduce_max3A_211 = arith.xori %reduce_max3A_210, %reduce_max3A_208 : vector<16xi32>
            %reduce_max3A_212 = vector.extract %reduce_max3A_211[15] : i32 from vector<16xi32>
            %gt3A_213 = arith.constant 0 : i32
            %gt3A_214 = arith.cmpi sgt, %reduce_max3A_212, %gt3A_213 : i32
            scf.condition(%gt3A_214) %while3A_201, %while3A_202, %while3A_203 : vector<16xf32>, vector<16xi32>, vector<16xi1>
          } do {
          ^bb0(%while3A_201: vector<16xf32>, %while3A_202: vector<16xi32>, %while3A_203: vector<16xi1>):
            %all_reduce_ffs3A = tpu.all_reduce %while3A_203 {dim = 0 : i64, kind = #tpu.reduction_kind<find_first_set>} : vector<16xi1> -> vector<16xi32>
            %reduce_min3A_204 = arith.constant true
            %reduce_min3A_205 = vector.broadcast %reduce_min3A_204 : i1 to vector<16xi1>
            %reduce_min3A_206 = arith.constant -2147483648 : i32
            %reduce_min3A_207 = vector.broadcast %reduce_min3A_206 : i32 to vector<16xi32>
            %reduce_min3A_208 = arith.xori %all_reduce_ffs3A, %reduce_min3A_207 : vector<16xi32>
            %reduce_min3A_209 = tpu.scan <min>, %reduce_min3A_208 masked %reduce_min3A_205 : vector<16xi32>, vector<16xi1> -> vector<16xi32>
            %reduce_min3A_210 = arith.xori %reduce_min3A_209, %reduce_min3A_207 : vector<16xi32>
            %reduce_min3A_211 = vector.extract %reduce_min3A_210[15] : i32 from vector<16xi32>
            %add3A_212 = arith.constant 32 : i32
            %add3A_213 = arith.addi %add3A_212, %reduce_min3A_211 : i32
            %broadcast_in_dim3A_214 = vector.broadcast %cond3A : f32 to vector<16xf32>
            %broadcast_in_dim3A_215 = arith.constant 1073741824 : i32
            %broadcast_in_dim3A_216 = vector.broadcast %broadcast_in_dim3A_215 : i32 to vector<16xi32>
            %scan3A_217 = arith.constant 0 : i32
            %scan3A_218 = arith.constant 64 : i32
            %scan3A_219 = arith.addi %scan3A_217, %scan3A_218 : i32
            %scan3A_220 = arith.constant 1 : i32
            %scan3A_221:2 = scf.for %scan3A_251 = %scan3A_217 to %scan3A_219 step %scan3A_220 iter_args(%scan3A_252 = %broadcast_in_dim3A_214, %scan3A_253 = %broadcast_in_dim3A_216) -> (vector<16xf32>, vector<16xi32>)  : i32 {
              %mul3A_254 = arith.constant 16 : i32
              %mul3A_255 = arith.muli %scan3A_251, %mul3A_254 : i32
              %add3A_256 = vector.broadcast %mul3A_255 : i32 to vector<16xi32>
              %add3A_257 = arith.addi %add3A_256, %iota3A : vector<16xi32>
              %broadcast_in_dim3A_258 = vector.broadcast %add3A_213 : i32 to vector<16xi32>
              %gather3A = tpu.vector_load_idx %arg7[%broadcast_in_dim3A_258, %add3A_257] : memref<64x1024xf32, #tpu.memory_space<vmem>>[vector<16xi32>, vector<16xi32>], vector<16xf32>,
              %lt3A_259 = arith.cmpf olt, %gather3A, %scan3A_252 : vector<16xf32>
              %select_n3A_260 = arith.select %lt3A_259, %gather3A, %scan3A_252 : vector<16xi1>, vector<16xf32>
              %select_n3A_261 = arith.select %lt3A_259, %add3A_257, %scan3A_253 : vector<16xi1>, vector<16xi32>
              scf.yield %select_n3A_260, %select_n3A_261 : vector<16xf32>, vector<16xi32>
            }
            %scan3A_222 = arith.constant 64 : i32
            %reduce_min3A_223 = arith.constant true
            %reduce_min3A_224 = vector.broadcast %reduce_min3A_223 : i1 to vector<16xi1>
            %reduce_min3A_225 = tpu.scan <min>, %scan3A_221#0 masked %reduce_min3A_224 : vector<16xf32>, vector<16xi1> -> vector<16xf32>
            %reduce_min3A_226 = vector.extract %reduce_min3A_225[15] : f32 from vector<16xf32>
            %eq3A_227 = vector.broadcast %reduce_min3A_226 : f32 to vector<16xf32>
            %eq3A_228 = arith.cmpf oeq, %scan3A_221#0, %eq3A_227 : vector<16xf32>
            %jit3A_229 = arith.constant 1073741824 : i32
            %broadcast_in_dim3A_230 = vector.broadcast %jit3A_229 : i32 to vector<16xi32>
            %select_n3A_231 = arith.select %eq3A_228, %scan3A_221#1, %broadcast_in_dim3A_230 : vector<16xi1>, vector<16xi32>
            %reduce_min3A_232 = arith.constant true
            %reduce_min3A_233 = vector.broadcast %reduce_min3A_232 : i1 to vector<16xi1>
            %reduce_min3A_234 = arith.constant -2147483648 : i32
            %reduce_min3A_235 = vector.broadcast %reduce_min3A_234 : i32 to vector<16xi32>
            %reduce_min3A_236 = arith.xori %select_n3A_231, %reduce_min3A_235 : vector<16xi32>
            %reduce_min3A_237 = tpu.scan <min>, %reduce_min3A_236 masked %reduce_min3A_233 : vector<16xi32>, vector<16xi1> -> vector<16xi32>
            %reduce_min3A_238 = arith.xori %reduce_min3A_237, %reduce_min3A_235 : vector<16xi32>
            %reduce_min3A_239 = vector.extract %reduce_min3A_238[15] : i32 from vector<16xi32>
            %eq3A_240 = vector.broadcast %reduce_min3A_211 : i32 to vector<16xi32>
            %eq3A_241 = arith.cmpi eq, %iota3A, %eq3A_240 : vector<16xi32>
            %broadcast_in_dim3A_242 = vector.broadcast %reduce_min3A_226 : f32 to vector<16xf32>
            %select_n3A_243 = arith.select %eq3A_241, %broadcast_in_dim3A_242, %while3A_201 : vector<16xi1>, vector<16xf32>
            %eq3A_244 = vector.broadcast %reduce_min3A_211 : i32 to vector<16xi32>
            %eq3A_245 = arith.cmpi eq, %iota3A, %eq3A_244 : vector<16xi32>
            %broadcast_in_dim3A_246 = vector.broadcast %reduce_min3A_239 : i32 to vector<16xi32>
            %select_n3A_247 = arith.select %eq3A_245, %broadcast_in_dim3A_246, %while3A_202 : vector<16xi1>, vector<16xi32>
            %ne3A_248 = vector.broadcast %reduce_min3A_211 : i32 to vector<16xi32>
            %ne3A_249 = arith.cmpi ne, %iota3A, %ne3A_248 : vector<16xi32>
            %and3A_250 = arith.andi %while3A_203, %ne3A_249 : vector<16xi1>
            scf.yield %select_n3A_243, %select_n3A_247, %and3A_250 : vector<16xf32>, vector<16xi32>, vector<16xi1>
          }
          %while3A_200:3 = scf.while (%while3A_201 = %select_n3A_157, %while3A_202 = %scan3A_34, %while3A_203 = %and3A_179) : (vector<16xf32>, vector<16xi32>, vector<16xi1>) -> (vector<16xf32>, vector<16xi32>, vector<16xi1>) {
            %convert_element_type3A_204 = arith.extui %while3A_203 : vector<16xi1> to vector<16xi32>
            %reduce_max3A_205 = arith.constant true
            %reduce_max3A_206 = vector.broadcast %reduce_max3A_205 : i1 to vector<16xi1>
            %reduce_max3A_207 = arith.constant -2147483648 : i32
            %reduce_max3A_208 = vector.broadcast %reduce_max3A_207 : i32 to vector<16xi32>
            %reduce_max3A_209 = arith.xori %convert_element_type3A_204, %reduce_max3A_208 : vector<16xi32>
            %reduce_max3A_210 = tpu.scan <max>, %reduce_max3A_209 masked %reduce_max3A_206 : vector<16xi32>, vector<16xi1> -> vector<16xi32>
            %reduce_max3A_211 = arith.xori %reduce_max3A_210, %reduce_max3A_208 : vector<16xi32>
            %reduce_max3A_212 = vector.extract %reduce_max3A_211[15] : i32 from vector<16xi32>
            %gt3A_213 = arith.constant 0 : i32
            %gt3A_214 = arith.cmpi sgt, %reduce_max3A_212, %gt3A_213 : i32
            scf.condition(%gt3A_214) %while3A_201, %while3A_202, %while3A_203 : vector<16xf32>, vector<16xi32>, vector<16xi1>
          } do {
          ^bb0(%while3A_201: vector<16xf32>, %while3A_202: vector<16xi32>, %while3A_203: vector<16xi1>):
            %all_reduce_ffs3A = tpu.all_reduce %while3A_203 {dim = 0 : i64, kind = #tpu.reduction_kind<find_first_set>} : vector<16xi1> -> vector<16xi32>
            %reduce_min3A_204 = arith.constant true
            %reduce_min3A_205 = vector.broadcast %reduce_min3A_204 : i1 to vector<16xi1>
            %reduce_min3A_206 = arith.constant -2147483648 : i32
            %reduce_min3A_207 = vector.broadcast %reduce_min3A_206 : i32 to vector<16xi32>
            %reduce_min3A_208 = arith.xori %all_reduce_ffs3A, %reduce_min3A_207 : vector<16xi32>
            %reduce_min3A_209 = tpu.scan <min>, %reduce_min3A_208 masked %reduce_min3A_205 : vector<16xi32>, vector<16xi1> -> vector<16xi32>
            %reduce_min3A_210 = arith.xori %reduce_min3A_209, %reduce_min3A_207 : vector<16xi32>
            %reduce_min3A_211 = vector.extract %reduce_min3A_210[15] : i32 from vector<16xi32>
            %add3A_212 = arith.constant 48 : i32
            %add3A_213 = arith.addi %add3A_212, %reduce_min3A_211 : i32
            %broadcast_in_dim3A_214 = vector.broadcast %cond3A : f32 to vector<16xf32>
            %broadcast_in_dim3A_215 = arith.constant 1073741824 : i32
            %broadcast_in_dim3A_216 = vector.broadcast %broadcast_in_dim3A_215 : i32 to vector<16xi32>
            %scan3A_217 = arith.constant 0 : i32
            %scan3A_218 = arith.constant 64 : i32
            %scan3A_219 = arith.addi %scan3A_217, %scan3A_218 : i32
            %scan3A_220 = arith.constant 1 : i32
            %scan3A_221:2 = scf.for %scan3A_251 = %scan3A_217 to %scan3A_219 step %scan3A_220 iter_args(%scan3A_252 = %broadcast_in_dim3A_214, %scan3A_253 = %broadcast_in_dim3A_216) -> (vector<16xf32>, vector<16xi32>)  : i32 {
              %mul3A_254 = arith.constant 16 : i32
              %mul3A_255 = arith.muli %scan3A_251, %mul3A_254 : i32
              %add3A_256 = vector.broadcast %mul3A_255 : i32 to vector<16xi32>
              %add3A_257 = arith.addi %add3A_256, %iota3A : vector<16xi32>
              %broadcast_in_dim3A_258 = vector.broadcast %add3A_213 : i32 to vector<16xi32>
              %gather3A = tpu.vector_load_idx %arg7[%broadcast_in_dim3A_258, %add3A_257] : memref<64x1024xf32, #tpu.memory_space<vmem>>[vector<16xi32>, vector<16xi32>], vector<16xf32>,
              %lt3A_259 = arith.cmpf olt, %gather3A, %scan3A_252 : vector<16xf32>
              %select_n3A_260 = arith.select %lt3A_259, %gather3A, %scan3A_252 : vector<16xi1>, vector<16xf32>
              %select_n3A_261 = arith.select %lt3A_259, %add3A_257, %scan3A_253 : vector<16xi1>, vector<16xi32>
              scf.yield %select_n3A_260, %select_n3A_261 : vector<16xf32>, vector<16xi32>
            }
            %scan3A_222 = arith.constant 64 : i32
            %reduce_min3A_223 = arith.constant true
            %reduce_min3A_224 = vector.broadcast %reduce_min3A_223 : i1 to vector<16xi1>
            %reduce_min3A_225 = tpu.scan <min>, %scan3A_221#0 masked %reduce_min3A_224 : vector<16xf32>, vector<16xi1> -> vector<16xf32>
            %reduce_min3A_226 = vector.extract %reduce_min3A_225[15] : f32 from vector<16xf32>
            %eq3A_227 = vector.broadcast %reduce_min3A_226 : f32 to vector<16xf32>
            %eq3A_228 = arith.cmpf oeq, %scan3A_221#0, %eq3A_227 : vector<16xf32>
            %jit3A_229 = arith.constant 1073741824 : i32
            %broadcast_in_dim3A_230 = vector.broadcast %jit3A_229 : i32 to vector<16xi32>
            %select_n3A_231 = arith.select %eq3A_228, %scan3A_221#1, %broadcast_in_dim3A_230 : vector<16xi1>, vector<16xi32>
            %reduce_min3A_232 = arith.constant true
            %reduce_min3A_233 = vector.broadcast %reduce_min3A_232 : i1 to vector<16xi1>
            %reduce_min3A_234 = arith.constant -2147483648 : i32
            %reduce_min3A_235 = vector.broadcast %reduce_min3A_234 : i32 to vector<16xi32>
            %reduce_min3A_236 = arith.xori %select_n3A_231, %reduce_min3A_235 : vector<16xi32>
            %reduce_min3A_237 = tpu.scan <min>, %reduce_min3A_236 masked %reduce_min3A_233 : vector<16xi32>, vector<16xi1> -> vector<16xi32>
            %reduce_min3A_238 = arith.xori %reduce_min3A_237, %reduce_min3A_235 : vector<16xi32>
            %reduce_min3A_239 = vector.extract %reduce_min3A_238[15] : i32 from vector<16xi32>
            %eq3A_240 = vector.broadcast %reduce_min3A_211 : i32 to vector<16xi32>
            %eq3A_241 = arith.cmpi eq, %iota3A, %eq3A_240 : vector<16xi32>
            %broadcast_in_dim3A_242 = vector.broadcast %reduce_min3A_226 : f32 to vector<16xf32>
            %select_n3A_243 = arith.select %eq3A_241, %broadcast_in_dim3A_242, %while3A_201 : vector<16xi1>, vector<16xf32>
            %eq3A_244 = vector.broadcast %reduce_min3A_211 : i32 to vector<16xi32>
            %eq3A_245 = arith.cmpi eq, %iota3A, %eq3A_244 : vector<16xi32>
            %broadcast_in_dim3A_246 = vector.broadcast %reduce_min3A_239 : i32 to vector<16xi32>
            %select_n3A_247 = arith.select %eq3A_245, %broadcast_in_dim3A_246, %while3A_202 : vector<16xi1>, vector<16xi32>
            %ne3A_248 = vector.broadcast %reduce_min3A_211 : i32 to vector<16xi32>
            %ne3A_249 = arith.cmpi ne, %iota3A, %ne3A_248 : vector<16xi32>
            %and3A_250 = arith.andi %while3A_203, %ne3A_249 : vector<16xi1>
            scf.yield %select_n3A_243, %select_n3A_247, %and3A_250 : vector<16xf32>, vector<16xi32>, vector<16xi1>
          }
          scf.yield %while3A#0, %while3A_198#0, %while3A_199#0, %while3A_200#0, %while3A#1, %while3A_198#1, %while3A_199#1, %while3A_200#1 : vector<16xf32>, vector<16xf32>, vector<16xf32>, vector<16xf32>, vector<16xi32>, vector<16xi32>, vector<16xi32>, vector<16xi32>
        } else {
          scf.yield %select_n3A_130, %select_n3A_139, %select_n3A_148, %select_n3A_157, %scan3A_31, %scan3A_32, %scan3A_33, %scan3A_34 : vector<16xf32>, vector<16xf32>, vector<16xf32>, vector<16xf32>, vector<16xi32>, vector<16xi32>, vector<16xi32>, vector<16xi32>
        }
        scf.yield %cond3A_197#0, %cond3A_197#1, %cond3A_197#2, %cond3A_197#3, %cond3A_197#4, %cond3A_197#5, %cond3A_197#6, %cond3A_197#7 : vector<16xf32>, vector<16xf32>, vector<16xf32>, vector<16xf32>, vector<16xi32>, vector<16xi32>, vector<16xi32>, vector<16xi32>
      }
      %scan3A_25 = arith.constant 64 : i32
      "tpu.region"() ({
        %run_scoped3A = tpu.sem_alloc : memref<!tpu.dma_semaphore, #tpu.memory_space<semaphore_mem>>
        %dma_start3A = arith.constant 0 : i32
        %dma_start3A_26 = tpu.memref_slice %arg5[%add3A, %dma_start3A] : memref<8x64xi32, #tpu.memory_space<hbm>> -> memref<1x64xi32, #tpu.memory_space<hbm>>
        %dma_start3A_27 = tpu.memref_squeeze %dma_start3A_26 : memref<1x64xi32, #tpu.memory_space<hbm>> -> memref<64xi32, #tpu.memory_space<hbm>>
        %dma_start3A_28 = arith.constant 0 : i32
        %dma_start3A_29 = tpu.memref_slice %arg5[%add3A, %dma_start3A_28] : memref<8x64xi32, #tpu.memory_space<hbm>> -> memref<1x64xi32, #tpu.memory_space<hbm>>
        %dma_start3A_30 = tpu.memref_squeeze %dma_start3A_29 : memref<1x64xi32, #tpu.memory_space<hbm>> -> memref<64xi32, #tpu.memory_space<hbm>>
        tpu.enqueue_dma source(%arg10 : memref<64xi32, #tpu.memory_space<vmem>>) target(%dma_start3A_30 : memref<64xi32, #tpu.memory_space<hbm>>) target_semaphore(%run_scoped3A : memref<!tpu.dma_semaphore, #tpu.memory_space<semaphore_mem>>)
        %dma_wait3A = arith.constant 0 : i32
        %dma_wait3A_31 = tpu.memref_slice %arg5[%add3A, %dma_wait3A] : memref<8x64xi32, #tpu.memory_space<hbm>> -> memref<1x64xi32, #tpu.memory_space<hbm>>
        %dma_wait3A_32 = tpu.memref_squeeze %dma_wait3A_31 : memref<1x64xi32, #tpu.memory_space<hbm>> -> memref<64xi32, #tpu.memory_space<hbm>>
        %dma_wait3A_33 = arith.constant 0 : i32
        %dma_wait3A_34 = tpu.memref_slice %arg5[%add3A, %dma_wait3A_33] : memref<8x64xi32, #tpu.memory_space<hbm>> -> memref<1x64xi32, #tpu.memory_space<hbm>>
        %dma_wait3A_35 = tpu.memref_squeeze %dma_wait3A_34 : memref<1x64xi32, #tpu.memory_space<hbm>> -> memref<64xi32, #tpu.memory_space<hbm>>
        tpu.wait_dma2 semaphore(%run_scoped3A : memref<!tpu.dma_semaphore, #tpu.memory_space<semaphore_mem>>) src(%arg10 : memref<64xi32, #tpu.memory_space<vmem>>) dst(%dma_wait3A_35 : memref<64xi32, #tpu.memory_space<hbm>>)
        tpu.yield
      }) : () -> ()
      "tpu.region"() ({
        %run_scoped3A = tpu.sem_alloc : memref<!tpu.dma_semaphore, #tpu.memory_space<semaphore_mem>>
        %dma_start3A = arith.constant 0 : i32
        %dma_start3A_26 = tpu.memref_slice %arg6[%add3A, %dma_start3A] : memref<8x64xi32, #tpu.memory_space<hbm>> -> memref<1x64xi32, #tpu.memory_space<hbm>>
        %dma_start3A_27 = tpu.memref_squeeze %dma_start3A_26 : memref<1x64xi32, #tpu.memory_space<hbm>> -> memref<64xi32, #tpu.memory_space<hbm>>
        %dma_start3A_28 = arith.constant 0 : i32
        %dma_start3A_29 = tpu.memref_slice %arg6[%add3A, %dma_start3A_28] : memref<8x64xi32, #tpu.memory_space<hbm>> -> memref<1x64xi32, #tpu.memory_space<hbm>>
        %dma_start3A_30 = tpu.memref_squeeze %dma_start3A_29 : memref<1x64xi32, #tpu.memory_space<hbm>> -> memref<64xi32, #tpu.memory_space<hbm>>
        tpu.enqueue_dma source(%arg11 : memref<64xi32, #tpu.memory_space<vmem>>) target(%dma_start3A_30 : memref<64xi32, #tpu.memory_space<hbm>>) target_semaphore(%run_scoped3A : memref<!tpu.dma_semaphore, #tpu.memory_space<semaphore_mem>>)
        %dma_wait3A = arith.constant 0 : i32
        %dma_wait3A_31 = tpu.memref_slice %arg6[%add3A, %dma_wait3A] : memref<8x64xi32, #tpu.memory_space<hbm>> -> memref<1x64xi32, #tpu.memory_space<hbm>>
        %dma_wait3A_32 = tpu.memref_squeeze %dma_wait3A_31 : memref<1x64xi32, #tpu.memory_space<hbm>> -> memref<64xi32, #tpu.memory_space<hbm>>
        %dma_wait3A_33 = arith.constant 0 : i32
        %dma_wait3A_34 = tpu.memref_slice %arg6[%add3A, %dma_wait3A_33] : memref<8x64xi32, #tpu.memory_space<hbm>> -> memref<1x64xi32, #tpu.memory_space<hbm>>
        %dma_wait3A_35 = tpu.memref_squeeze %dma_wait3A_34 : memref<1x64xi32, #tpu.memory_space<hbm>> -> memref<64xi32, #tpu.memory_space<hbm>>
        tpu.wait_dma2 semaphore(%run_scoped3A : memref<!tpu.dma_semaphore, #tpu.memory_space<semaphore_mem>>) src(%arg11 : memref<64xi32, #tpu.memory_space<vmem>>) dst(%dma_wait3A_35 : memref<64xi32, #tpu.memory_space<hbm>>)
        tpu.yield
      }) : () -> ()
    } else {
    }
    return
  }
}

module attributes {stable_mosaic.version = 14 : i64} {
  func.func @_cost_kernel(%arg0: i32, %arg1: memref<64x1xi32, #tpu.memory_space<vmem>>, %arg2: memref<1x91x1024xf32, #tpu.memory_space<vmem>>, %arg3: memref<1x4x1024xf32, #tpu.memory_space<vmem>>, %arg4: memref<64x4xf32, #tpu.memory_space<vmem>>, %arg5: memref<1x64x1024xf32, #tpu.memory_space<vmem>>, %arg6: memref<1x64x1xf32, #tpu.memory_space<vmem>>, %arg7: memref<1x64x1xi32, #tpu.memory_space<vmem>>) attributes {dimension_semantics = [#tpu.dimension_semantics<arbitrary>], iteration_bounds = array<i64: 8>, scalar_prefetch = 0 : i64, scratch_operands = 0 : i64, tpu.core_type = #tpu.core_type<tc>, window_params = [{pipeline_mode = #tpu.pipeline_mode<synchronous>, transform_indices = @transform_0, window_bounds = array<i64: 64, 1>}, {transform_indices = @transform_1, window_bounds = array<i64: 1, 91, 1024>}, {transform_indices = @transform_2, window_bounds = array<i64: 1, 4, 1024>}, {pipeline_mode = #tpu.pipeline_mode<synchronous>, transform_indices = @transform_3, window_bounds = array<i64: 64, 4>}, {transform_indices = @transform_4, window_bounds = array<i64: 1, 64, 1024>}, {transform_indices = @transform_5, window_bounds = array<i64: 1, 64, 1>}, {transform_indices = @transform_6, window_bounds = array<i64: 1, 64, 1>}]} {
    %iota3A = tpu.iota {dimensions = array<i32: 1>} : vector<64x91xi32>
    %get3A = arith.constant 0 : index
    %get3A_0 = arith.constant 0 : index
    %get3A_1 = vector.load %arg1[%get3A, %get3A_0] : memref<64x1xi32, #tpu.memory_space<vmem>>, vector<64x1xi32>
    %eq3A = vector.broadcast %get3A_1 : vector<64x1xi32> to vector<64x91xi32>
    %eq3A_2 = arith.cmpi eq, %iota3A, %eq3A : vector<64x91xi32>
    %convert_element_type3A = arith.extui %eq3A_2 : vector<64x91xi1> to vector<64x91xi32>
    %convert_element_type3A_3 = arith.sitofp %convert_element_type3A : vector<64x91xi32> to vector<64x91xf32>
    %get3A_4 = arith.constant 0 : index
    %get3A_5 = arith.constant 0 : index
    %get3A_6 = arith.constant 0 : index
    %get3A_7 = vector.load %arg2[%get3A_4, %get3A_5, %get3A_6] : memref<1x91x1024xf32, #tpu.memory_space<vmem>>, vector<1x91x1024xf32>
    %get3A_8 = vector.shape_cast %get3A_7 : vector<1x91x1024xf32> to vector<91x1024xf32>
    %dot_general3A = arith.constant dense<0.000000e+00> : vector<64x1024xf32>
    %dot_general3A_9 = tpu.matmul %convert_element_type3A_3, %get3A_8, %dot_general3A {dimension_numbers = #tpu.dot_dimension_numbers<[1], [0], [0], [1], [0, 0, 1, 1], [], []>, precision = #tpu.contract_precision<fp32>, transpose_lhs_hint = false} : vector<64x91xf32>, vector<91x1024xf32>, vector<64x1024xf32> -> vector<64x1024xf32>
    %logistic3A = arith.negf %dot_general3A_9 : vector<64x1024xf32>
    %logistic3A_10 = math.exp %logistic3A : vector<64x1024xf32>
    %logistic3A_11 = arith.constant 1.000000e+00 : f32
    %logistic3A_12 = vector.broadcast %logistic3A_11 : f32 to vector<64x1024xf32>
    %logistic3A_13 = arith.addf %logistic3A_12, %logistic3A_10 : vector<64x1024xf32>
    %logistic3A_14 = arith.divf %logistic3A_12, %logistic3A_13 : vector<64x1024xf32>
    %neg3A = arith.constant 0.000000e+00 : f32
    %neg3A_15 = vector.broadcast %neg3A : f32 to vector<64x1024xf32>
    %neg3A_16 = arith.subf %neg3A_15, %logistic3A_14 : vector<64x1024xf32>
    %get3A_17 = arith.constant 0 : index
    %get3A_18 = arith.constant 0 : index
    %get3A_19 = arith.constant 0 : index
    %get3A_20 = vector.load %arg3[%get3A_17, %get3A_18, %get3A_19] : memref<1x4x1024xf32, #tpu.memory_space<vmem>>, vector<1x4x1024xf32>
    %get3A_21 = vector.shape_cast %get3A_20 : vector<1x4x1024xf32> to vector<4x1024xf32>
    %slice3A = vector.extract_strided_slice %get3A_21 {offsets = [0, 0], sizes = [1, 1024], strides = [1, 1]} : vector<4x1024xf32> to vector<1x1024xf32>
    %slice3A_22 = vector.extract_strided_slice %get3A_21 {offsets = [1, 0], sizes = [1, 1024], strides = [1, 1]} : vector<4x1024xf32> to vector<1x1024xf32>
    %slice3A_23 = vector.extract_strided_slice %get3A_21 {offsets = [2, 0], sizes = [1, 1024], strides = [1, 1]} : vector<4x1024xf32> to vector<1x1024xf32>
    %slice3A_24 = vector.extract_strided_slice %get3A_21 {offsets = [3, 0], sizes = [1, 1024], strides = [1, 1]} : vector<4x1024xf32> to vector<1x1024xf32>
    %get3A_25 = arith.constant 0 : index
    %get3A_26 = arith.constant 0 : index
    %get3A_27 = vector.load %arg4[%get3A_25, %get3A_26] : memref<64x4xf32, #tpu.memory_space<vmem>>, vector<64x4xf32>
    %slice3A_28 = vector.extract_strided_slice %get3A_27 {offsets = [0, 0], sizes = [64, 1], strides = [1, 1]} : vector<64x4xf32> to vector<64x1xf32>
    %slice3A_29 = vector.extract_strided_slice %get3A_27 {offsets = [0, 1], sizes = [64, 1], strides = [1, 1]} : vector<64x4xf32> to vector<64x1xf32>
    %slice3A_30 = vector.extract_strided_slice %get3A_27 {offsets = [0, 2], sizes = [64, 1], strides = [1, 1]} : vector<64x4xf32> to vector<64x1xf32>
    %slice3A_31 = vector.extract_strided_slice %get3A_27 {offsets = [0, 3], sizes = [64, 1], strides = [1, 1]} : vector<64x4xf32> to vector<64x1xf32>
    %sub3A = vector.broadcast %slice3A : vector<1x1024xf32> to vector<64x1024xf32>
    %sub3A_32 = vector.broadcast %slice3A_28 : vector<64x1xf32> to vector<64x1024xf32>
    %sub3A_33 = arith.subf %sub3A, %sub3A_32 : vector<64x1024xf32>
    %abs3A = math.absf %sub3A_33 : vector<64x1024xf32>
    %sub3A_34 = vector.broadcast %slice3A_22 : vector<1x1024xf32> to vector<64x1024xf32>
    %sub3A_35 = vector.broadcast %slice3A_29 : vector<64x1xf32> to vector<64x1024xf32>
    %sub3A_36 = arith.subf %sub3A_34, %sub3A_35 : vector<64x1024xf32>
    %abs3A_37 = math.absf %sub3A_36 : vector<64x1024xf32>
    %add3A = arith.addf %abs3A, %abs3A_37 : vector<64x1024xf32>
    %sub3A_38 = vector.broadcast %slice3A_23 : vector<1x1024xf32> to vector<64x1024xf32>
    %sub3A_39 = vector.broadcast %slice3A_30 : vector<64x1xf32> to vector<64x1024xf32>
    %sub3A_40 = arith.subf %sub3A_38, %sub3A_39 : vector<64x1024xf32>
    %abs3A_41 = math.absf %sub3A_40 : vector<64x1024xf32>
    %add3A_42 = arith.addf %add3A, %abs3A_41 : vector<64x1024xf32>
    %sub3A_43 = vector.broadcast %slice3A_24 : vector<1x1024xf32> to vector<64x1024xf32>
    %sub3A_44 = vector.broadcast %slice3A_31 : vector<64x1xf32> to vector<64x1024xf32>
    %sub3A_45 = arith.subf %sub3A_43, %sub3A_44 : vector<64x1024xf32>
    %abs3A_46 = math.absf %sub3A_45 : vector<64x1024xf32>
    %add3A_47 = arith.addf %add3A_42, %abs3A_46 : vector<64x1024xf32>
    %mul3A = arith.constant 5.000000e-01 : f32
    %mul3A_48 = vector.broadcast %mul3A : f32 to vector<1x1024xf32>
    %mul3A_49 = arith.mulf %mul3A_48, %slice3A_23 : vector<1x1024xf32>
    %sub3A_50 = arith.subf %slice3A, %mul3A_49 : vector<1x1024xf32>
    %mul3A_51 = arith.constant 5.000000e-01 : f32
    %mul3A_52 = vector.broadcast %mul3A_51 : f32 to vector<1x1024xf32>
    %mul3A_53 = arith.mulf %mul3A_52, %slice3A_24 : vector<1x1024xf32>
    %sub3A_54 = arith.subf %slice3A_22, %mul3A_53 : vector<1x1024xf32>
    %mul3A_55 = arith.constant 5.000000e-01 : f32
    %mul3A_56 = vector.broadcast %mul3A_55 : f32 to vector<1x1024xf32>
    %mul3A_57 = arith.mulf %mul3A_56, %slice3A_23 : vector<1x1024xf32>
    %add3A_58 = arith.addf %slice3A, %mul3A_57 : vector<1x1024xf32>
    %mul3A_59 = arith.constant 5.000000e-01 : f32
    %mul3A_60 = vector.broadcast %mul3A_59 : f32 to vector<1x1024xf32>
    %mul3A_61 = arith.mulf %mul3A_60, %slice3A_24 : vector<1x1024xf32>
    %add3A_62 = arith.addf %slice3A_22, %mul3A_61 : vector<1x1024xf32>
    %mul3A_63 = arith.constant 5.000000e-01 : f32
    %mul3A_64 = vector.broadcast %mul3A_63 : f32 to vector<64x1xf32>
    %mul3A_65 = arith.mulf %mul3A_64, %slice3A_30 : vector<64x1xf32>
    %sub3A_66 = arith.subf %slice3A_28, %mul3A_65 : vector<64x1xf32>
    %mul3A_67 = arith.constant 5.000000e-01 : f32
    %mul3A_68 = vector.broadcast %mul3A_67 : f32 to vector<64x1xf32>
    %mul3A_69 = arith.mulf %mul3A_68, %slice3A_31 : vector<64x1xf32>
    %sub3A_70 = arith.subf %slice3A_29, %mul3A_69 : vector<64x1xf32>
    %mul3A_71 = arith.constant 5.000000e-01 : f32
    %mul3A_72 = vector.broadcast %mul3A_71 : f32 to vector<64x1xf32>
    %mul3A_73 = arith.mulf %mul3A_72, %slice3A_30 : vector<64x1xf32>
    %add3A_74 = arith.addf %slice3A_28, %mul3A_73 : vector<64x1xf32>
    %mul3A_75 = arith.constant 5.000000e-01 : f32
    %mul3A_76 = vector.broadcast %mul3A_75 : f32 to vector<64x1xf32>
    %mul3A_77 = arith.mulf %mul3A_76, %slice3A_31 : vector<64x1xf32>
    %add3A_78 = arith.addf %slice3A_29, %mul3A_77 : vector<64x1xf32>
    %sub3A_79 = arith.subf %add3A_58, %sub3A_50 : vector<1x1024xf32>
    %sub3A_80 = arith.subf %add3A_62, %sub3A_54 : vector<1x1024xf32>
    %mul3A_81 = arith.mulf %sub3A_79, %sub3A_80 : vector<1x1024xf32>
    %sub3A_82 = arith.subf %add3A_74, %sub3A_66 : vector<64x1xf32>
    %sub3A_83 = arith.subf %add3A_78, %sub3A_70 : vector<64x1xf32>
    %mul3A_84 = arith.mulf %sub3A_82, %sub3A_83 : vector<64x1xf32>
    %min3A = vector.broadcast %add3A_58 : vector<1x1024xf32> to vector<64x1024xf32>
    %min3A_85 = vector.broadcast %add3A_74 : vector<64x1xf32> to vector<64x1024xf32>
    %min3A_86 = arith.minimumf %min3A, %min3A_85 : vector<64x1024xf32>
    %max3A = vector.broadcast %sub3A_50 : vector<1x1024xf32> to vector<64x1024xf32>
    %max3A_87 = vector.broadcast %sub3A_66 : vector<64x1xf32> to vector<64x1024xf32>
    %max3A_88 = arith.maximumf %max3A, %max3A_87 : vector<64x1024xf32>
    %sub3A_89 = arith.subf %min3A_86, %max3A_88 : vector<64x1024xf32>
    %max3A_90 = arith.constant 0.000000e+00 : f32
    %max3A_91 = vector.broadcast %max3A_90 : f32 to vector<64x1024xf32>
    %max3A_92 = arith.maximumf %sub3A_89, %max3A_91 : vector<64x1024xf32>
    %min3A_93 = vector.broadcast %add3A_62 : vector<1x1024xf32> to vector<64x1024xf32>
    %min3A_94 = vector.broadcast %add3A_78 : vector<64x1xf32> to vector<64x1024xf32>
    %min3A_95 = arith.minimumf %min3A_93, %min3A_94 : vector<64x1024xf32>
    %max3A_96 = vector.broadcast %sub3A_54 : vector<1x1024xf32> to vector<64x1024xf32>
    %max3A_97 = vector.broadcast %sub3A_70 : vector<64x1xf32> to vector<64x1024xf32>
    %max3A_98 = arith.maximumf %max3A_96, %max3A_97 : vector<64x1024xf32>
    %sub3A_99 = arith.subf %min3A_95, %max3A_98 : vector<64x1024xf32>
    %max3A_100 = arith.constant 0.000000e+00 : f32
    %max3A_101 = vector.broadcast %max3A_100 : f32 to vector<64x1024xf32>
    %max3A_102 = arith.maximumf %sub3A_99, %max3A_101 : vector<64x1024xf32>
    %mul3A_103 = arith.mulf %max3A_92, %max3A_102 : vector<64x1024xf32>
    %add3A_104 = vector.broadcast %mul3A_81 : vector<1x1024xf32> to vector<64x1024xf32>
    %add3A_105 = vector.broadcast %mul3A_84 : vector<64x1xf32> to vector<64x1024xf32>
    %add3A_106 = arith.addf %add3A_104, %add3A_105 : vector<64x1024xf32>
    %sub3A_107 = arith.subf %add3A_106, %mul3A_103 : vector<64x1024xf32>
    %div3A = arith.divf %mul3A_103, %sub3A_107 : vector<64x1024xf32>
    %max3A_108 = vector.broadcast %add3A_58 : vector<1x1024xf32> to vector<64x1024xf32>
    %max3A_109 = vector.broadcast %add3A_74 : vector<64x1xf32> to vector<64x1024xf32>
    %max3A_110 = arith.maximumf %max3A_108, %max3A_109 : vector<64x1024xf32>
    %min3A_111 = vector.broadcast %sub3A_50 : vector<1x1024xf32> to vector<64x1024xf32>
    %min3A_112 = vector.broadcast %sub3A_66 : vector<64x1xf32> to vector<64x1024xf32>
    %min3A_113 = arith.minimumf %min3A_111, %min3A_112 : vector<64x1024xf32>
    %sub3A_114 = arith.subf %max3A_110, %min3A_113 : vector<64x1024xf32>
    %max3A_115 = vector.broadcast %add3A_62 : vector<1x1024xf32> to vector<64x1024xf32>
    %max3A_116 = vector.broadcast %add3A_78 : vector<64x1xf32> to vector<64x1024xf32>
    %max3A_117 = arith.maximumf %max3A_115, %max3A_116 : vector<64x1024xf32>
    %min3A_118 = vector.broadcast %sub3A_54 : vector<1x1024xf32> to vector<64x1024xf32>
    %min3A_119 = vector.broadcast %sub3A_70 : vector<64x1xf32> to vector<64x1024xf32>
    %min3A_120 = arith.minimumf %min3A_118, %min3A_119 : vector<64x1024xf32>
    %sub3A_121 = arith.subf %max3A_117, %min3A_120 : vector<64x1024xf32>
    %max3A_122 = arith.constant 0.000000e+00 : f32
    %max3A_123 = vector.broadcast %max3A_122 : f32 to vector<64x1024xf32>
    %max3A_124 = arith.maximumf %sub3A_114, %max3A_123 : vector<64x1024xf32>
    %max3A_125 = arith.constant 0.000000e+00 : f32
    %max3A_126 = vector.broadcast %max3A_125 : f32 to vector<64x1024xf32>
    %max3A_127 = arith.maximumf %sub3A_121, %max3A_126 : vector<64x1024xf32>
    %mul3A_128 = arith.mulf %max3A_124, %max3A_127 : vector<64x1024xf32>
    %sub3A_129 = arith.subf %mul3A_128, %sub3A_107 : vector<64x1024xf32>
    %div3A_130 = arith.divf %sub3A_129, %mul3A_128 : vector<64x1024xf32>
    %sub3A_131 = arith.subf %div3A, %div3A_130 : vector<64x1024xf32>
    %neg3A_132 = arith.constant 0.000000e+00 : f32
    %neg3A_133 = vector.broadcast %neg3A_132 : f32 to vector<64x1024xf32>
    %neg3A_134 = arith.subf %neg3A_133, %sub3A_131 : vector<64x1024xf32>
    %add3A_135 = arith.addf %add3A_47, %neg3A_16 : vector<64x1024xf32>
    %add3A_136 = arith.addf %add3A_135, %neg3A_134 : vector<64x1024xf32>
    %iota3A_137 = tpu.iota {dimensions = array<i32: 1>} : vector<64x1024xi32>
    %ge3A = arith.constant 1000 : i32
    %ge3A_138 = vector.broadcast %ge3A : i32 to vector<64x1024xi32>
    %ge3A_139 = arith.cmpi sge, %iota3A_137, %ge3A_138 : vector<64x1024xi32>
    %jit3A = arith.constant 0x7F800000 : f32
    %broadcast_in_dim3A = vector.broadcast %jit3A : f32 to vector<64x1024xf32>
    %select_n3A = arith.select %ge3A_139, %broadcast_in_dim3A, %add3A_136 : vector<64x1024xi1>, vector<64x1024xf32>
    %swap3A = arith.constant 0 : index
    %swap3A_140 = arith.constant 0 : index
    %swap3A_141 = arith.constant 0 : index
    %swap3A_142 = vector.load %arg5[%swap3A, %swap3A_140, %swap3A_141] : memref<1x64x1024xf32, #tpu.memory_space<vmem>>, vector<1x64x1024xf32>
    %swap3A_143 = vector.shape_cast %swap3A_142 : vector<1x64x1024xf32> to vector<64x1024xf32>
    %swap3A_144 = vector.shape_cast %select_n3A : vector<64x1024xf32> to vector<1x64x1024xf32>
    tpu.vector_store %arg5[%swap3A, %swap3A_140, %swap3A_141], %swap3A_144 {strides = array<i32>} : memref<1x64x1024xf32, #tpu.memory_space<vmem>>, vector<1x64x1024xf32>,
    %reduce_min3A = arith.constant dense<0x7F800000> : vector<64xf32>
    %reduce_min3A_145 = vector.multi_reduction <minimumf>, %select_n3A, %reduce_min3A [1] : vector<64x1024xf32> to vector<64xf32>
    %broadcast_in_dim3A_146 = vector.shape_cast %reduce_min3A_145 : vector<64xf32> to vector<64x1xf32>
    %swap3A_147 = arith.constant 0 : index
    %swap3A_148 = arith.constant 0 : index
    %swap3A_149 = arith.constant 0 : index
    %swap3A_150 = vector.load %arg6[%swap3A_147, %swap3A_148, %swap3A_149] : memref<1x64x1xf32, #tpu.memory_space<vmem>>, vector<1x64x1xf32>
    %swap3A_151 = vector.shape_cast %swap3A_150 : vector<1x64x1xf32> to vector<64x1xf32>
    %swap3A_152 = vector.shape_cast %broadcast_in_dim3A_146 : vector<64x1xf32> to vector<1x64x1xf32>
    tpu.vector_store %arg6[%swap3A_147, %swap3A_148, %swap3A_149], %swap3A_152 {strides = array<i32>} : memref<1x64x1xf32, #tpu.memory_space<vmem>>, vector<1x64x1xf32>,
    %eq3A_153 = vector.broadcast %broadcast_in_dim3A_146 : vector<64x1xf32> to vector<64x1024xf32>
    %eq3A_154 = arith.cmpf oeq, %select_n3A, %eq3A_153 : vector<64x1024xf32>
    %jit3A_155 = arith.constant 1073741824 : i32
    %broadcast_in_dim3A_156 = vector.broadcast %jit3A_155 : i32 to vector<64x1024xi32>
    %select_n3A_157 = arith.select %eq3A_154, %iota3A_137, %broadcast_in_dim3A_156 : vector<64x1024xi1>, vector<64x1024xi32>
    %reduce_min3A_158 = arith.constant dense<2147483647> : vector<64xi32>
    %reduce_min3A_159 = vector.multi_reduction <minsi>, %select_n3A_157, %reduce_min3A_158 [1] : vector<64x1024xi32> to vector<64xi32>
    %broadcast_in_dim3A_160 = vector.shape_cast %reduce_min3A_159 : vector<64xi32> to vector<64x1xi32>
    %swap3A_161 = arith.constant 0 : index
    %swap3A_162 = arith.constant 0 : index
    %swap3A_163 = arith.constant 0 : index
    %swap3A_164 = vector.load %arg7[%swap3A_161, %swap3A_162, %swap3A_163] : memref<1x64x1xi32, #tpu.memory_space<vmem>>, vector<1x64x1xi32>
    %swap3A_165 = vector.shape_cast %swap3A_164 : vector<1x64x1xi32> to vector<64x1xi32>
    %swap3A_166 = vector.shape_cast %broadcast_in_dim3A_160 : vector<64x1xi32> to vector<1x64x1xi32>
    tpu.vector_store %arg7[%swap3A_161, %swap3A_162, %swap3A_163], %swap3A_166 {strides = array<i32>} : memref<1x64x1xi32, #tpu.memory_space<vmem>>, vector<1x64x1xi32>,
    return
  }
  func.func @transform_0(%arg0: i32) -> (i32, i32) {
    %c0_i32 = arith.constant 0 : i32
    %c0_i32_0 = arith.constant 0 : i32
    %c0_i32_1 = arith.constant 0 : i32
    return %c0_i32, %c0_i32_0 : i32, i32
  }
  func.func @transform_1(%arg0: i32) -> (i32, i32, i32) {
    %c0_i32 = arith.constant 0 : i32
    %c0_i32_0 = arith.constant 0 : i32
    %c0_i32_1 = arith.constant 0 : i32
    return %arg0, %c0_i32, %c0_i32_0 : i32, i32, i32
  }
  func.func @transform_2(%arg0: i32) -> (i32, i32, i32) {
    %c0_i32 = arith.constant 0 : i32
    %c0_i32_0 = arith.constant 0 : i32
    %c0_i32_1 = arith.constant 0 : i32
    return %arg0, %c0_i32, %c0_i32_0 : i32, i32, i32
  }
  func.func @transform_3(%arg0: i32) -> (i32, i32) {
    %c0_i32 = arith.constant 0 : i32
    %c0_i32_0 = arith.constant 0 : i32
    %c0_i32_1 = arith.constant 0 : i32
    return %c0_i32, %c0_i32_0 : i32, i32
  }
  func.func @transform_4(%arg0: i32) -> (i32, i32, i32) {
    %c0_i32 = arith.constant 0 : i32
    %c0_i32_0 = arith.constant 0 : i32
    %c0_i32_1 = arith.constant 0 : i32
    return %arg0, %c0_i32, %c0_i32_0 : i32, i32, i32
  }
  func.func @transform_5(%arg0: i32) -> (i32, i32, i32) {
    %c0_i32 = arith.constant 0 : i32
    %c0_i32_0 = arith.constant 0 : i32
    %c0_i32_1 = arith.constant 0 : i32
    return %arg0, %c0_i32, %c0_i32_0 : i32, i32, i32
  }
  func.func @transform_6(%arg0: i32) -> (i32, i32, i32) {
    %c0_i32 = arith.constant 0 : i32
    %c0_i32_0 = arith.constant 0 : i32
    %c0_i32_1 = arith.constant 0 : i32
    return %arg0, %c0_i32, %c0_i32_0 : i32, i32, i32
  }
}

</mosaic_0001>

<sc_bundles>
// kernel: kernel.4.cloned.1.call-start
scs
__scs_entry_jumppad:
0x0: {  	(pc) =	sbr.rel $0x88, $3  }
0x1: {  	(tag) =	ssettag $0x0;
	lr =	simm.s32 $0x1  }
0x2: {  	[smem:$0x3F9D] =	sst lr;
	_ =	strace $0xD0000000  }
0x3: {  	_ = 	snop  }
0x4: {  	_ = 	snop  }
0x5: {  	_ = 	snop  }
0x6: {  	_ = 	snop  }
0x7: {  	_ = 	snop  }
__scs_overlays_trampoline_lowered:
0x8: {  	[smem:$0x3FAC] =	sst s0  }
0x9: {  	[smem:$0x3FAD] =	sst s1  }
0xa: {  	[smem:$0x3FAE] =	sst s2  }
0xb: {  	[smem:$0x3FAF] =	sst s3  }
0xc: {  	[smem:$0x3FB0] =	sst s4  }
0xd: {  	[smem:$0x3FB1] =	sst s5  }
0xe: {  	[smem:$0x3FB2] =	sst s6  }
0xf: {  	[smem:$0x3FB3] =	sst s7  }
0x10: {  	[smem:$0x3FB4] =	sst s8  }
0x11: {  	[smem:$0x3FB5] =	sst s9;
	s0 =	simm.s32 @!p0 $0x0  }
0x12: {  	s1 =	sld [smem:$0x3F9B];
	s0 =	simm.s32 @p0 $0x1  }
0x13: {  	[smem:$0x3FB6] =	sst s0;
	s0 =	simm.s32 @!p1 $0x0  }
0x14: {  	s2 =	sld [smem:$0x3F9A];
	s0 =	simm.s32 @p1 $0x1  }
0x15: {  	[smem:$0x3FB7] =	sst s0;
	s0 =	simm.s32 @!p2 $0x0  }
0x16: {  	s3 =	sld [smem:$0x3FDB];
	s0 =	simm.s32 @p2 $0x1  }
0x17: {  	s4 =	simm.s32 $0x1BF5;
	[smem:$0x3FB9] =	sst s0  }
0x18: {  	s0 =	sld [smem:$0x3F9C];
	_ =	swait.ge [sflag:s4], $0x0  }
0x19: {  	s7 =	sld [smem:$0x3F9D]  }
0x1a: {  	s8 =	sadd.s32 $0xFFFFE003, lr  }
0x1b: {  	s9 =	sadd.s32 $0xFFFFFEF7, lr;
	s5 =	simm.s32 $0xFFFFFFFF;
	p2 =	slt.u32 s8, $0xFFFFF086  }
0x1c: {  	p1 =	slt.u32 s9, $0xF7A;
	s5 =	simm.s32 @!p2 $0x0  }
0x1d: {  	s5 =	simm.s32 @p1 $0x1;
	p0 =	seq.s32 s7, s2  }
0x1e: {  	s7 =	smul.u32 @!p0 $0xF7A, s2;
	p2 =	seq.s32 @!p0 s5, $0x0  }
0x1f: {  	s9 =	smul.u32 $0xF7A, s1;
	s8 =	simm.s32 @!p0 $0x1BF5;
	p2 =	por !p2, p0  }
0x20: {  	[sflag:s8] =	ssyncset.s32 @!p0 $0xFFFFF086;
	s6 =	sadd.s32 @!p0 s3, s7;
	s7 =	simm.s32 @!p0 $0x108  }
0x21: {  	s3 =	sadd.s32 s3, s9;
	s6 =	sadd.s32 @!p0 $0x88, s6;
	s7 =	simm.s32 @p2 $0x1082  }
0x22: {  	[simem:s7], [sflag:s8] =	dma.local @!p0 [hbm:s6], $0xF7A  }
0x23: {  	s9 =	sor.u32 $0xD0000000, s2;
	s6 =	simm.s32 $0x108;
	_ =	swait.ge @!p0 [sflag:s8], $0x0  }
0x24: {  	s3 =	sadd.s32 $0x88, s3;
	s6 =	simm.s32 @!p1 $0x1082;
	[sflag:s4] =	ssyncset.s32 $0xFFFFF086  }
0x25: {  	[simem:s6], [sflag:s4] =	dma.local [hbm:s3], $0xF7A  }
0x26: {  	[smem:$0x3F9D] =	sst s1;
	(tag) =	ssettag s2;
	_ =	strace s9  }
0x27: {  	s1 =	sld [smem:$0x3FAD]  }
0x28: {  	s2 =	sld [smem:$0x3FAE]  }
0x29: {  	s4 =	sld [smem:$0x3FB0]  }
0x2a: {  	p0 =	seq.s32 s5, $0x0;
	s5 =	sld [smem:$0x3FB1]  }
0x2b: {  	s6 =	sld [smem:$0x3FB2]  }
0x2c: {  	s7 =	sld [smem:$0x3FB3]  }
0x2d: {  	s3 =	simm.s32 $0x108;
	s8 =	sld [smem:$0x3FB4]  }
0x2e: {  	s3 =	simm.s32 @!p0 $0x1082;
	s9 =	sld [smem:$0x3FB5]  }
0x2f: {  	lr =	sadd.s32 s0, s3;
	s0 =	sld [smem:$0x3FAC]  }
0x30: {  	s3 =	sld [smem:$0x3FAF]  }
0x31: {  	[smem:$0x3FB8] =	sst s10  }
0x32: {  	s10 =	sld [smem:$0x3FB6];
	_ =	sdelay $0x3  }
0x33: {  	p0 =	seq.s32 s10, $0x1;
	s10 =	sld [smem:$0x3FB8];
	_ =	sdelay $0x3  }
0x34: {  	[smem:$0x3FB8] =	sst s10  }
0x35: {  	s10 =	sld [smem:$0x3FB7];
	_ =	sdelay $0x3  }
0x36: {  	p1 =	seq.s32 s10, $0x1;
	s10 =	sld [smem:$0x3FB8];
	_ =	sdelay $0x3  }
0x37: {  	[smem:$0x3FB8] =	sst s10  }
0x38: {  	s10 =	sld [smem:$0x3FB9]  }
0x39: {  	_ = 	snop;
	(pc) =	sbr.ind lr, $3  }
0x3a: {  	_ = 	snop  }
0x3b: {  	_ = 	snop  }
0x3c: {  	p2 =	seq.s32 s10, $0x1;
	s10 =	sld [smem:$0x3FB8]  }
0x3d: {  	_ =	shalt  }
0x3e: {  	_ =	shalt  }
0x3f: {  	_ =	shalt  }
0x40: {  	_ =	shalt  }
0x41: {  	_ =	shalt  }
0x42: {  	_ =	shalt  }
0x43: {  	_ =	shalt  }
0x44: {  	_ =	shalt  }
0x45: {  	_ =	shalt  }
0x46: {  	_ =	shalt  }
0x47: {  	_ =	shalt  }
0x48: {  	_ =	shalt  }
0x49: {  	_ =	shalt  }
0x4a: {  	_ =	shalt  }
0x4b: {  	_ =	shalt  }
0x4c: {  	_ =	shalt  }
0x4d: {  	_ =	shalt  }
0x4e: {  	_ =	shalt  }
0x4f: {  	_ =	shalt  }
0x50: {  	_ =	shalt  }
0x51: {  	_ =	shalt  }
0x52: {  	_ =	shalt  }
0x53: {  	_ =	shalt  }
0x54: {  	_ =	shalt  }
0x55: {  	_ =	shalt  }
0x56: {  	_ =	shalt  }
0x57: {  	_ =	shalt  }
0x58: {  	_ =	shalt  }
0x59: {  	_ =	shalt  }
0x5a: {  	_ =	shalt  }
0x5b: {  	_ =	shalt  }
0x5c: {  	_ =	shalt  }
0x5d: {  	_ =	shalt  }
0x5e: {  	_ =	shalt  }
0x5f: {  	_ =	shalt  }
0x60: {  	_ =	shalt  }
0x61: {  	_ =	shalt  }
0x62: {  	_ =	shalt  }
0x63: {  	_ =	shalt  }
0x64: {  	_ =	shalt  }
0x65: {  	_ =	shalt  }
0x66: {  	_ =	shalt  }
0x67: {  	_ =	shalt  }
0x68: {  	_ =	shalt  }
0x69: {  	_ =	shalt  }
0x6a: {  	_ =	shalt  }
0x6b: {  	_ =	shalt  }
0x6c: {  	_ =	shalt  }
0x6d: {  	_ =	shalt  }
0x6e: {  	_ =	shalt  }
0x6f: {  	_ =	shalt  }
0x70: {  	_ =	shalt  }
0x71: {  	_ =	shalt  }
0x72: {  	_ =	shalt  }
0x73: {  	_ =	shalt  }
0x74: {  	_ =	shalt  }
0x75: {  	_ =	shalt  }
0x76: {  	_ =	shalt  }
0x77: {  	_ =	shalt  }
0x78: {  	_ =	shalt  }
0x79: {  	_ =	shalt  }
0x7a: {  	_ =	shalt  }
0x7b: {  	_ =	shalt  }
0x7c: {  	_ =	shalt  }
0x7d: {  	_ =	shalt  }
0x7e: {  	_ =	shalt  }
0x7f: {  	_ =	shalt  }
0x80: {  	_ =	shalt  }
0x81: {  	_ =	shalt  }
0x82: {  	_ =	shalt  }
0x83: {  	_ =	shalt  }
0x84: {  	_ =	shalt  }
0x85: {  	_ =	shalt  }
0x86: {  	_ =	shalt  }
0x87: {  	_ =	shalt  }
.Lfunc_end0:
.L_simem_size_0:
called_computation_lowered:
.L_overlay_start_0:
0x88: {  	s2 =	sld [smem:$0x3FD9]  }
0x89: {  	s3 =	sld [smem:$0x3FFE];
	_ =	sdelay $0x1  }
0x8a: {  	s1 =	srdreg.scid  }
0x8b: {  	s0 =	sand.u32 $0x1, s1  }
0x8c: {  	s14 =	sshll.u32 s0, $0xA;
	s2 =	sadd.s32 s3, s2  }
0x8d: {  	s2 =	sadd.s32 s2, s14  }
0x8e: {  	[smem:$0x3FC4] =	sst s2  }
0x8f: {  	_ = 	snop  }
0x90: {  	s2 =	sld [smem:$0x3FD0];
	_ =	sdelay $0x2  }
0x91: {  	s15 =	simm.s32 $0xA;
	s4 =	simm.s32 $0x10  }
0x92: {  	[smem:s4], [sflag:s15] =	dma.local [hbm:s2], $0x1  }
0x93: {  	_ =	swait.eq [sflag:s15], $0x1  }
0x94: {  	[sflag:s15] =	ssyncset.done $0x0  }
0x95: {  	s16 =	sld [smem:$0x10];
	[sflag:s15] =	ssyncadd.s32 $0xFFFFFFFF  }
0x96: {  	s17 =	sld [smem:$0x11];
	(tm) =	ssettm $0x1  }
0x97: {  	s18 =	sld [smem:$0x3FFB];
	_ =	sdelay $0x3  }
0x98: {  	_ =	strace s18  }
0x99: {  	s4 =	sld [smem:$0x3FFC];
	_ =	sdelay $0x3  }
0x9a: {  	_ =	strace s4  }
0x9b: {  	s4 =	sld [smem:$0x3FFD];
	_ =	sdelay $0x3  }
0x9c: {  	_ =	strace s4  }
0x9d: {  	_ =	strace $0x8FFFFFFF  }
0x9e: {  	s19 =	sld [smem:$0x3FDB];
	_ =	sdelay $0x1  }
0x9f: {  	s5 =	simm.s32 $_scs_section_size  }
0xa0: {  	s6 =	simm.s32 $_size__tile_overlayer_lowered;
	s7 =	simm.s32 $_tile_overlayer_lowered  }
0xa1: {  	s22 =	simm.s32 $0x1BFF;
	s21 =	sshll.u32 s7, $0x1;
	s4 =	sadd.s32 s5, s19  }
0xa2: {  	s8 =	simm.s32 $0x0;
	s20 =	sshll.u32 s6, $0x1;
	s6 =	sadd.s32 s21, s4  }
0xa3: {  	[timem:s8], [sflag:s22] =	dma.local [hbm:s6], s20  }
0xa4: {  	_ =	swait.ge [sflag:s22], s20  }
0xa5: {  	s5 =	ssub.s32 $0x0, s20;
	[sflag:s22] =	ssyncset.done $0x0  }
0xa6: {  	[sflag:s22] =	ssyncadd.s32 s5;
	_ =	sdelay $0x1  }
0xa7: {  	s23 =	simm.s32 $0x1B8B  }
0xa8: {  	_ =	swait.ge [sflag:s23], $0x1  }
0xa9: {  	[sflag:s23] =	ssyncset.done $0x0  }
0xaa: {  	s25 =	simm.s32 $0x1B8E;
	s24 =	sld [smem:$0x3FFE];
	[sflag:s23] =	ssyncadd.s32 $0xFFFFFFFF  }
0xab: {  	s26 =	simm.s32 $execute0_lowered;
	[smem:$0x3FD2] =	sst s25  }
0xac: {  	s6 =	sshll.u32 s26, $0x1;
	_ =	strace $0x80000046;
	[dreg:$0x1] =	wrdreg $0xFFFFFFFF  }
0xad: {  	s28 =	simm.s32 $_size_execute0_lowered;
	s4 =	sadd.s32 s4, s6;
	[dreg:$0x0] =	wrdreg $0x0  }
0xae: {  	s6 =	sshll.u32 s28, $0x1;
	[dreg:$0x2] =	wrdreg s4  }
0xaf: {  	[dreg:$0x3] =	wrdreg s6  }
0xb0: {  	[dreg:$0x4] =	wrdreg $0xC0  }
0xb1: {  	_ =	task [dreg:s8], $0x5FFFF  }
0xb2: {  	[dreg:$0x1] =	wrdreg $0xFFFFFFFF  }
0xb3: {  	[dreg:$0x0] =	wrdreg $0x60  }
0xb4: {  	[dreg:$0x2] =	wrdreg s24  }
0xb5: {  	[dreg:$0x3] =	wrdreg s16  }
0xb6: {  	[dreg:$0x4] =	wrdreg s17  }
0xb7: {  	[dreg:$0x5] =	wrdreg $0x9  }
0xb8: {  	_ =	task.clear_ibuf [dreg:s8], $0x6FFFF;
	_ =	strace $0x90000046  }
0xb9: {  	s29 =	simm.s32 $0x9;
	_ =	strace $0x80000048  }
0xba: {  	_ =	swait.ge [sflag:s29], $0x1  }
0xbb: {  	[sflag:s29] =	ssyncadd.s32 $0xFFFFFFFF  }
0xbc: {  	_ =	strace $0x90000048  }
0xbd: {  	_ =	sfence  }
0xbe: {  	s30 =	sld [smem:$0x0];
	_ =	sdelay $0x2  }
0xbf: {  	s31 =	sshll.u32 s1, $0xD;
	s1 =	sshrl.u32 s1, $0x2  }
0xc0: {  	s3 =	sand.u32 $0x4000, s31;
	s1 =	sadd.s32 s1, s30  }
0xc1: {  	s0 =	sor.u32 s3, s0;
	s1 =	sshll.u32 s1, $0x11  }
0xc2: {  	s0 =	sor.u32 s1, s0  }
0xc3: {  	s0 =	sadd.s32 $0x8F2B, s0  }
0xc4: {  	[sflag:s0] =	ssyncadd.remote.s32 $0x1  }
0xc5: {  	_ =	sfence.sel $0xFFFF  }
0xc6: {  	[dreg:$0x0] =	wrdreg $0xFFFFFFFF;
	(pc) =	sbr.abs _section_cstart, $3  }
0xc7: {  	[dreg:$0x1] =	wrdreg $0xFFFFFFFF  }
0xc8: {  	_ =	task.clear_ibuf [dreg:s8], $0x2FFFF;
	_ =	strace $0x9FFFFFFF  }
0xc9: {  	(tm) =	ssettm $0x7FFFFFFF  }
tec
execute0_lowered:
.L_overlay_start_1:
0x0: {  	(tag) =	ssettag $0x1  }
0x1: {  	s1 =	stileid.u32  }
0x2: {  	p0 =	sgt.u32 s1, $0x3  }
.Ltmp0:
0x3: {  	s3 =	rddreg [dreg:$0x0];
	(pc) =	sbr.rel @p0 .LBB2_13-.Ltmp0, $4  }
0x4: {  	s5 =	rddreg [dreg:$0x1]  }
0x5: {  	s6 =	rddreg [dreg:$0x2];
	s2 =	simm.s32 $0x0  }
0x6: {  	[smem:$0x7FF] =	sst s2  }
0x7: {  	s0 =	rddreg [dreg:$0x3];
	_ =	strace $0x80000047  }
0x8: {  	v0 =	vimm.s32 $0x2380  }
0x9: {  	vm14 =	vcmask $0x300;
	vm13 =	vcmask $0x704;
	vm12 =	vcmask $0xB08  }
0xa: {  	vm11 =	vcmask $0xF0C;
	vm10 =	vcmask $0x1310;
	vm9 =	vcmask $0x1714  }
0xb: {  	vm8 =	vcmask $0x1B18;
	vm7 =	vcmask $0x1F1C;
	vm6 =	vcmask $0x2320  }
0xc: {  	vm5 =	vcmask $0x2724;
	vm4 =	vcmask $0x2B28;
	vm3 =	vcmask $0x2F2C  }
0xd: {  	vm2 =	vcmask $0x3330;
	vm1 =	vcmask $0x3734;
	vm0 =	vcmask $0x3B38  }
0xe: {  	v6 =	vimm.s32 $0x6380;
	v7 =	vimm.s32 $0xA380;
	v8 =	vimm.s32 $0xE380  }
0xf: {  	v9 =	vimm.s32 $0x0;
	v0 =	vsel vm14, $0x0, v0;
	v6 =	vsel vm14, $0x4000, v6  }
0x10: {  	v7 =	vsel vm14, $0x8000, v7;
	v8 =	vsel vm14, $0xC000, v8;
	v0 =	vsel vm13, $0x80, v0  }
0x11: {  	v6 =	vsel vm13, $0x4080, v6;
	v7 =	vsel vm13, $0x8080, v7;
	v8 =	vsel vm13, $0xC080, v8  }
0x12: {  	v0 =	vsel vm12, $0x100, v0;
	v6 =	vsel vm12, $0x4100, v6;
	v7 =	vsel vm12, $0x8100, v7  }
0x13: {  	v8 =	vsel vm12, $0xC100, v8;
	v0 =	vsel vm11, $0x180, v0;
	v6 =	vsel vm11, $0x4180, v6  }
0x14: {  	v7 =	vsel vm11, $0x8180, v7;
	v8 =	vsel vm11, $0xC180, v8;
	v0 =	vsel vm10, $0x200, v0  }
0x15: {  	v6 =	vsel vm10, $0x4200, v6;
	v7 =	vsel vm10, $0x8200, v7;
	v8 =	vsel vm10, $0xC200, v8  }
0x16: {  	v0 =	vsel vm9, $0x280, v0;
	v6 =	vsel vm9, $0x4280, v6;
	v7 =	vsel vm9, $0x8280, v7  }
0x17: {  	v8 =	vsel vm9, $0xC280, v8;
	v0 =	vsel vm8, $0x300, v0;
	v6 =	vsel vm8, $0x4300, v6  }
0x18: {  	v7 =	vsel vm8, $0x8300, v7;
	v8 =	vsel vm8, $0xC300, v8;
	v0 =	vsel vm7, $0x380, v0  }
0x19: {  	v6 =	vsel vm7, $0x4380, v6;
	v7 =	vsel vm7, $0x8380, v7;
	v8 =	vsel vm7, $0xC380, v8  }
0x1a: {  	v0 =	vsel vm6, $0x2000, v0;
	v6 =	vsel vm6, $0x6000, v6;
	v7 =	vsel vm6, $0xA000, v7  }
0x1b: {  	v8 =	vsel vm6, $0xE000, v8;
	v1 =	vsel vm5, $0x2080, v0;
	v0 =	vlaneseq.u32  }
0x1c: {  	v6 =	vsel vm5, $0x6080, v6;
	v7 =	vsel vm5, $0xA080, v7;
	v8 =	vsel vm5, $0xE080, v8  }
0x1d: {  	s4 =	srdreg.scid;
	s7 =	sshll.u32 s1, $0x1;
	s9 =	sadd.s32 $0x600, s3;
	v2 =	vsel vm4, $0x2100, v1;
	v1 =	vor.u32 $0x10, v0;
	v6 =	vsel vm4, $0x6100, v6  }
0x1e: {  	s12 =	simm.s32 $0x10100;
	s13 =	simm.s32 $0x10180;
	s4 =	sand.u32 $0x1, s4;
	v7 =	vsel vm4, $0xA100, v7;
	v8 =	vsel vm4, $0xE100, v8;
	v3 =	vsel vm3, $0x2180, v2  }
0x1f: {  	s14 =	simm.s32 $0x0;
	s7 =	sor.u32 s4, s7;
	s11 =	ssub.s32 $0x2, s4;
	v2 =	vor.u32 $0x20, v0;
	v6 =	vsel vm3, $0x6180, v6;
	v7 =	vsel vm3, $0xA180, v7  }
.Ltmp1:
0x20: {  	s8 =	sshll.u32 s7, $0x4;
	s31 =	sshrl.u32 s11, $0x1;
	v8 =	vsel vm3, $0xE180, v8;
	v4 =	vsel vm2, $0x2200, v3;
	v3 =	vor.u32 $0x30, v0;
	(pc) =	sbr.rel .LBB2_2-.Ltmp1, $4  }
0x21: {  	s7 =	sshll.u32 s7, $0xD;
	s10 =	sadd.s32 s8, s3;
	s5 =	sadd.s32 s5, s8;
	v6 =	vsel vm2, $0x6200, v6;
	v7 =	vsel vm2, $0xA200, v7;
	v8 =	vsel vm2, $0xE200, v8  }
0x22: {  	s6 =	sadd.s32 s6, s8;
	s7 =	sadd.s32 s9, s7;
	s9 =	simm.s32 $0x1;
	v5 =	vsel vm1, $0x2280, v4;
	v4 =	vimm.f32 $+Inf;
	v6 =	vsel vm1, $0x6280, v6  }
0x23: {  	s3 =	sadd.s32 $0x10600, s10;
	s4 =	sadd.s32 $0x10800, s10;
	s10 =	ssub.s32 s11, s31;
	v7 =	vsel vm1, $0xA280, v7;
	v8 =	vsel vm1, $0xE280, v8;
	v5 =	vsel vm0, $0x2300, v5  }
0x24: {  	s11 =	simm.s32 $0x10080;
	s8 =	smax.u32 s10, $0x1;
	s10 =	simm.s32 $0x10000;
	v6 =	vsel vm0, $0x6300, v6;
	v7 =	vsel vm0, $0xA300, v7;
	v8 =	vsel vm0, $0xE300, v8  }
.LBB2_12:
0x25: {  	[hbm4b:s5+s2] =	stream.linear.scatter [tilespmem:s12], [sflag:$0x1], $0x80, $0x38;
	[tilespmem:$0x10200] =	vst v63  }
0x26: {  	s14 =	sadd.s32 $0x1, s14;
	_ =	swait.ge [sflag:s9], $0x80  }
0x27: {  	p0 =	sne.s32 s14, s8;
	[sflag:s9] =	ssyncset.done $0x0  }
.Ltmp2:
0x28: {  	[sflag:s9] =	ssyncadd.s32 $0xFFFFFF80;
	(pc) =	sbr.rel @!p0 .LBB2_13-.Ltmp2, $4  }
0x29: {  	[hbm4b:s6+s2] =	stream.linear.scatter [tilespmem:s13], [sflag:$0x1], $0x80, $0x38;
	[tilespmem:$0x10200] =	vst v63  }
0x2a: {  	_ =	swait.ge [sflag:s9], $0x80  }
0x2b: {  	[sflag:s9] =	ssyncset.done $0x0  }
0x2c: {  	[sflag:s9] =	ssyncadd.s32 $0xFFFFFF80  }
.LBB2_2:
0x2d: {  	s15 =	simm.s32 $0x0  }
0x2e: {  	[tilespmem:s15], [sflag:$0x1] =	stream.linear.gather [hbm4b:s7+s15], $0x10000, $0x38;
	[tilespmem:$0x10200] =	vst v63  }
0x2f: {  	_ =	swait.ge [sflag:s9], $0x10000  }
0x30: {  	[sflag:s9] =	ssyncset.done $0x0  }
0x31: {  	[sflag:s9] =	ssyncadd.s32 $0xFFFF0000  }
0x32: {  	[tilespmem:s10], [sflag:$0x1] =	stream.linear.gather [hbm4b:s3+s15], $0x80, $0x38;
	[tilespmem:$0x10200] =	vst v63  }
0x33: {  	_ =	swait.ge [sflag:s9], $0x80  }
0x34: {  	[sflag:s9] =	ssyncset.done $0x0  }
0x35: {  	[sflag:s9] =	ssyncadd.s32 $0xFFFFFF80  }
0x36: {  	[tilespmem:s11], [sflag:$0x1] =	stream.linear.gather [hbm4b:s4+s15], $0x80, $0x38;
	[tilespmem:$0x10200] =	vst v63  }
0x37: {  	_ =	swait.ge [sflag:s9], $0x80  }
0x38: {  	[sflag:s9] =	ssyncset.done $0x0  }
0x39: {  	[sflag:s9] =	ssyncadd.s32 $0xFFFFFF80  }
0x3a: {  	v10 =	vld [tilespmem:$0x10000]  }
0x3b: {  	v11 =	vld [tilespmem:$0x10010]  }
0x3c: {  	v12 =	vld [tilespmem:$0x10020]  }
.Ltmp3:
0x3d: {  	v13 =	vld [tilespmem:$0x10030];
	(pc) =	sbr.rel .LBB2_3-.Ltmp3, $4  }
0x3e: {  	v14 =	vld [tilespmem:$0x10080]  }
0x3f: {  	v15 =	vld [tilespmem:$0x10090]  }
0x40: {  	v16 =	vld [tilespmem:$0x100A0]  }
0x41: {  	v17 =	vld [tilespmem:$0x100B0]  }
.LBB2_11:
0x42: {  	s15 =	sadd.s32 $0x1, s15  }
0x43: {  	p0 =	sne.s32 s15, $0x40  }
.Ltmp4:
0x44: {  	_ = 	snop;
	(pc) =	sbr.rel @!p0 .LBB2_12-.Ltmp4, $1  }
0x45: {  	_ =	sdelay $0x3  }
.LBB2_3:
0x46: {  	v18 =	vmin.f32 v10, v11;
	v19 =	vmin.f32 v12, v13  }
0x47: {  	v18 =	vmin.f32 v18, v19  }
0x48: {  	(xrf0) =	vmin.scan.msk.f32 $0xffff, v18;
	_ =	sdelay $0x5  }
0x49: {  	v19 =	vshll.u32 v14, $0x6;
	v18, _, _ =	vpop (xrf0)  }
0x4a: {  	v19 =	vor.u32 v0, v19;
	v18 =	vbroadcast v18, $0xF  }
0x4b: {  	vm0 =	vlt.s32 v19, $0x40000000  }
0x4c: {  	v20 =	vshll.u32 v15, $0x6;
	v19 =	vnsel vm0, $0x40000000, v19;
	vm1 =	veq.f32 v10, v18  }
0x4d: {  	v20 =	vor.u32 v1, v20;
	v21 =	vshll.u32 v16, $0x6;
	v19 =	vnsel vm1, $0x40000000, v19  }
0x4e: {  	v21 =	vor.u32 v2, v21;
	vm1 =	vlt.s32 v19, v20  }
0x4f: {  	vm0 =	veq.f32 v11, v18;
	v20 =	vsel vm1, v19, v20;
	vm1 =	veq.f32 v12, v18  }
0x50: {  	v61 =	vshll.u32 v17, $0x6;
	v19 =	vsel vm0, v20, v19;
	v60 =	vnsel vm1, $0x40000000, v21  }
0x51: {  	vm1 =	veq.f32 v13, v18;
	v18 =	vor.u32 v3, v61;
	vm0 =	vlt.s32 v19, v60  }
0x52: {  	v18 =	vnsel vm1, $0x40000000, v18;
	v19 =	vsel vm0, v19, v60  }
0x53: {  	vm0 =	vlt.s32 v19, v18  }
0x54: {  	v18 =	vsel vm0, v19, v18  }
0x55: {  	v18 =	vxor.u32 $0x80000000, v18  }
0x56: {  	(xrf0) =	vmin.scan.msk.u32 $0xffff, v18;
	_ =	sdelay $0x5  }
0x57: {  	v18, _, _ =	vpop (xrf0)  }
0x58: {  	(v2sf) =	vpush v18, $0xF;
	_ =	sdelay $0xe  }
0x59: {  	s16 =	spop (v2sf)  }
0x5a: {  	s17 =	sxor.u32 $0x80000000, s16  }
0x5b: {  	p1 =	sgt.s32 s16, $0xFFFFFFFF;
	s16 =	sand.u32 $0x3F, s16;
	p0 =	slt.s32 s17, $0x1  }
0x5c: {  	s18 =	sshra.s32 s17, $0x1F;
	p6 =	sne.s32 s16, $0x0;
	p0 =	por p1, p0  }
0x5d: {  	s30 =	sshrl.u32 s18, $0x1A;
	p0 =	por !p6, !p0  }
0x5e: {  	s18 =	simm.s32 $0x1;
	s16 =	sadd.s32 s30, s17;
	p0 =	por !p0, !p0  }
0x5f: {  	s16 =	sshra.s32 s16, $0x6;
	s18 =	simm.s32 @!p0 $0x0  }
0x60: {  	s16 =	ssub.s32 s16, s18  }
0x61: {  	s18 =	sshll.u32 s16, $0x6  }
0x62: {  	s17 =	ssub.s32 s17, s18  }
0x63: {  	v18 =	vmov s17  }
0x64: {  	vm0 =	veq.s32 v18, v0  }
0x65: {  	vm1 =	veq.s32 v18, v2;
	v10 =	vsel vm0, $0x7F800000, v10;
	vm0 =	veq.s32 v18, v1  }
0x66: {  	v12 =	vsel vm1, $0x7F800000, v12;
	v11 =	vsel vm0, $0x7F800000, v11;
	vm0 =	veq.s32 v18, v3  }
0x67: {  	vm1 =	vgt.f32 v10, $+Inf;
	v13 =	vsel vm0, $0x7F800000, v13;
	vm0 =	vlt.f32 v10, $+Inf  }
0x68: {  	vm3 =	vmor vm1, vm0;
	vm0 =	vlt.f32 v11, $+Inf;
	vm1 =	vgt.f32 v11, $+Inf  }
0x69: {  	vm2 =	vmor vm1, vm0;
	vm0 =	vlt.f32 v12, $+Inf;
	vm1 =	vgt.f32 v12, $+Inf  }
0x6a: {  	vm4 =	vgt.f32 v13, $+Inf;
	vm0 =	vmor vm1, vm0;
	vm1 =	vlt.f32 v13, $+Inf  }
0x6b: {  	vm5 =	veq.s32 v16, s16;
	vm6 =	veq.s32 v17, s16;
	vm4 =	vmor vm4, vm1  }
0x6c: {  	vm1 =	vmand vm5, vm0;
	vm5 =	veq.s32 v15, s16;
	vm0 =	vmand vm6, vm4  }
0x6d: {  	vm4 =	veq.s32 v14, s16;
	vm2 =	vmand vm5, vm2;
	vm5 =	vmor vm1, vm0  }
0x6e: {  	vm3 =	vmand vm4, vm3;
	vm4 =	vmor vm2, vm5  }
0x6f: {  	vm4 =	vmor vm3, vm4  }
0x70: {  	v19 =	vsel vm4, $0x1, v9  }
0x71: {  	v19 =	vor.u32 $0x80000000, v19  }
0x72: {  	(xrf0) =	vmax.scan.msk.u32 $0xffff, v19;
	_ =	sdelay $0x5  }
0x73: {  	v19, _, _ =	vpop (xrf0)  }
0x74: {  	(v2sf) =	vpush v19, $0xF;
	_ =	sdelay $0x8  }
0x75: {  	v19 =	vmov s16  }
0x76: {  	v62 =	vshll.u32 v19, $0x3  }
0x77: {  	v63 =	vmov s15;
	v22 =	vand.u32 $0x7F, v19;
	v20 =	vand.u32 $0xFFFFFC00, v62  }
0x78: {  	v20 =	vor.u32 v22, v20  }
0x79: {  	v22 =	vadd.s32 v5, v20  }
0x7a: {  	v23 =	vadd.s32 v6, v20  }
0x7b: {  	v24 =	vadd.s32 v7, v20;
	s31 =	spop (v2sf)  }
0x7c: {  	[tilespmem:v63+s12+$0x0] =	vst.idx.msk $0x1, v19;
	v19 =	vadd.s32 v8, v20;
	p0 =	slt.u32 s31, $0x80000001  }
.Ltmp5:
0x7d: {  	[tilespmem:v63+s13+$0x0] =	vst.idx.msk $0x1, v18;
	(pc) =	sbr.rel @p0 .LBB2_11-.Ltmp5, $4  }
0x7e: {  	[tilespmem:v22+s2+$0x0] =	vst.idx.msk $0xffff, v4  }
0x7f: {  	[tilespmem:v23+s2+$0x0] =	vst.idx.msk $0xffff, v4  }
0x80: {  	[tilespmem:v24+s2+$0x0] =	vst.idx.msk $0xffff, v4  }
0x81: {  	[tilespmem:v19+s2+$0x0] =	vst.idx.msk $0xffff, v4  }
0x82: {  	v18 =	vsel vm3, $0x1, v9  }
0x83: {  	v18 =	vor.u32 $0x80000000, v18  }
0x84: {  	(xrf0) =	vmax.scan.msk.u32 $0xffff, v18;
	_ =	sdelay $0x5  }
0x85: {  	v18, _, _ =	vpop (xrf0)  }
0x86: {  	(v2sf) =	vpush v18, $0xF;
	_ =	sdelay $0xe  }
0x87: {  	s16 =	spop (v2sf)  }
0x88: {  	p0 =	sgt.u32 s16, $0x80000000  }
.Ltmp6:
0x89: {  	_ = 	snop;
	(pc) =	sbr.rel @!p0 .LBB2_5-.Ltmp6, $1  }
0x8a: {  	_ =	sdelay $0x3  }
.LBB2_14:
0x8b: {  	v18 =	vmctz.xlane vm3;
	_ =	sdelay $0x1  }
0x8c: {  	v18 =	vxor.u32 $0x80000000, v18  }
0x8d: {  	(xrf0) =	vmin.scan.msk.u32 $0xffff, v18;
	_ =	sdelay $0x5  }
0x8e: {  	v18, _, _ =	vpop (xrf0)  }
0x8f: {  	(v2sf) =	vpush v18, $0xF;
	_ =	sdelay $0xe  }
0x90: {  	s16 =	spop (v2sf)  }
0x91: {  	s16 =	sxor.u32 $0x80000000, s16  }
0x92: {  	s30 =	simm.s32 $0x0;
	v18 =	vmov s16  }
0x93: {  	v21 =	vmov s30;
	v19 =	vshll.u32 v18, $0xA;
	v20 =	vshll.u32 v18, $0x7  }
0x94: {  	v21 =	vshll.u32 v21, $0x3;
	v19 =	vand.u32 $0xFFFFE000, v19;
	v20 =	vand.u32 $0x380, v20  }
0x95: {  	v21 =	vand.u32 $0x1C00, v21;
	v20 =	vor.u32 v19, v20;
	v19 =	vor.u32 s30, v0  }
0x96: {  	v22 =	vand.u32 $0x7F, v19;
	v21 =	vor.u32 v21, v20  }
0x97: {  	s31 =	simm.s32 $0x10;
	v24 =	vor.u32 v22, v21  }
0x98: {  	v21 =	vmov s31  }
0x99: {  	v22 =	vshll.u32 v21, $0x3  }
0x9a: {  	v21 =	vor.u32 s31, v0;
	v22 =	vand.u32 $0x1C00, v22  }
0x9b: {  	v25 =	vand.u32 $0x7F, v21;
	v26 =	vor.u32 v22, v20  }
0x9c: {  	v25 =	vor.u32 v25, v26;
	v24 =	vld.idx.msk [tilespmem:v24+s2+$0x0], $0xffff  }
0x9d: {  	v23 =	vimm.f32 $+Inf;
	s16 =	simm.s32 $0x20;
	v22 =	vimm.s32 $0x40000000  }
.LBB2_15:
0x9e: {  	v26 =	vmov s16;
	p0 =	sne.s32 s16, $0x3F0;
	s17 =	smov.u32 s16;
	s16 =	sadd.s32 $0x10, s16  }
.Ltmp7:
0x9f: {  	v26 =	vshll.u32 v26, $0x3;
	(pc) =	sbr.rel @p0 .LBB2_15-.Ltmp7, $4  }
0xa0: {  	v27 =	vor.u32 s17, v0;
	v26 =	vand.u32 $0x1C00, v26  }
0xa1: {  	v28 =	vand.u32 $0x7F, v27;
	vm4 =	vlt.f32 v24, v23;
	v29 =	vmovc v24;
	v26 =	vor.u32 v26, v20;
	v24 =	vld.idx.msk [tilespmem:v25+s2+$0x0], $0xffff  }
0xa2: {  	v23 =	vsel vm4, v29, v23;
	v22 =	vsel vm4, v19, v22;
	v19 =	vmovc v21;
	v25 =	vor.u32 v28, v26  }
0xa3: {  	v21 =	vmov v27  }
0xa4: {  	_ =	sdelay $0x3  }
0xa5: {  	v20 =	vld.idx.msk [tilespmem:v25+s2+$0x0], $0xffff;
	_ =	sdelay $0x2  }
0xa6: {  	vm4 =	vlt.f32 v24, v23  }
0xa7: {  	v23 =	vsel vm4, v24, v23  }
0xa8: {  	vm5 =	vlt.f32 v20, v23  }
0xa9: {  	v20 =	vsel vm5, v20, v23  }
0xaa: {  	(xrf0) =	vmin.scan.msk.f32 $0xffff, v20;
	_ =	sdelay $0x5  }
0xab: {  	v61, _, _ =	vpop (xrf0)  }
0xac: {  	v19 =	vsel vm4, v19, v22;
	v62 =	vbroadcast v61, $0xF  }
0xad: {  	vm4 =	vne.s32 v18, v0;
	v19 =	vsel vm5, v21, v19  }
0xae: {  	vm3 =	vmand vm3, vm4;
	v19 =	vxor.u32 $0x80000000, v19;
	vm4 =	veq.f32 v20, v62  }
0xaf: {  	v63 =	vsel vm3, $0x1, v9;
	v19 =	vnsel vm4, $0xC0000000, v19  }
0xb0: {  	(xrf0) =	vmin.scan.msk.u32 $0xffff, v19;
	v19 =	vor.u32 $0x80000000, v63  }
0xb1: {  	(xrf0) =	vmax.scan.msk.u32 $0xffff, v19;
	_ =	sdelay $0x4  }
0xb2: {  	v19, _, _ =	vpop (xrf0)  }
0xb3: {  	(v2sf) =	vpush v19, $0xF;
	v19, _, _ =	vpop (xrf0)  }
0xb4: {  	(v2sf) =	vpush v19, $0xF;
	_ =	sdelay $0xd  }
0xb5: {  	s16 =	spop (v2sf)  }
0xb6: {  	s17 =	spop (v2sf)  }
0xb7: {  	p0 =	sgt.u32 s17, $0x80000000  }
.Ltmp8:
0xb8: {  	_ = 	snop;
	(pc) =	sbr.rel @p0 .LBB2_14-.Ltmp8, $3  }
0xb9: {  	_ =	sdelay $0x1  }
0xba: {  	vm4 =	veq.s32 v18, v0;
	s16 =	sxor.u32 $0x80000000, s16  }
0xbb: {  	v10 =	vsel vm4, v62, v10;
	v14 =	vsel vm4, s16, v14  }
.LBB2_5:
0xbc: {  	v18 =	vsel vm2, $0x1, v9  }
0xbd: {  	v18 =	vor.u32 $0x80000000, v18  }
0xbe: {  	(xrf0) =	vmax.scan.msk.u32 $0xffff, v18;
	_ =	sdelay $0x5  }
0xbf: {  	v18, _, _ =	vpop (xrf0)  }
0xc0: {  	(v2sf) =	vpush v18, $0xF;
	_ =	sdelay $0xe  }
0xc1: {  	s16 =	spop (v2sf)  }
0xc2: {  	p0 =	sgt.u32 s16, $0x80000000  }
.Ltmp9:
0xc3: {  	_ = 	snop;
	(pc) =	sbr.rel @!p0 .LBB2_6-.Ltmp9, $1  }
0xc4: {  	_ =	sdelay $0x3  }
.LBB2_17:
0xc5: {  	v18 =	vmctz.xlane vm2;
	_ =	sdelay $0x1  }
0xc6: {  	v18 =	vxor.u32 $0x80000000, v18  }
0xc7: {  	(xrf0) =	vmin.scan.msk.u32 $0xffff, v18;
	_ =	sdelay $0x5  }
0xc8: {  	v18, _, _ =	vpop (xrf0)  }
0xc9: {  	(v2sf) =	vpush v18, $0xF;
	_ =	sdelay $0xe  }
0xca: {  	s16 =	spop (v2sf)  }
0xcb: {  	s17 =	sadd.s32 $0x80000010, s16  }
0xcc: {  	s30 =	simm.s32 $0x0;
	v18 =	vmov s17  }
0xcd: {  	v20 =	vmov s30;
	v19 =	vshll.u32 v18, $0xA;
	v18 =	vshll.u32 v18, $0x7  }
0xce: {  	v21 =	vshll.u32 v20, $0x3;
	v19 =	vand.u32 $0xFFFFE000, v19;
	v18 =	vand.u32 $0x380, v18  }
0xcf: {  	v20 =	vor.u32 v19, v18;
	v18 =	vor.u32 s30, v0;
	v19 =	vand.u32 $0x1C00, v21  }
0xd0: {  	v21 =	vand.u32 $0x7F, v18;
	v19 =	vor.u32 v19, v20  }
0xd1: {  	s31 =	simm.s32 $0x10;
	v23 =	vor.u32 v21, v19  }
0xd2: {  	v19 =	vmov s31  }
0xd3: {  	v21 =	vshll.u32 v19, $0x3  }
0xd4: {  	v19 =	vor.u32 s31, v0;
	v21 =	vand.u32 $0x1C00, v21  }
0xd5: {  	v24 =	vand.u32 $0x7F, v19;
	v25 =	vor.u32 v21, v20  }
0xd6: {  	v24 =	vor.u32 v24, v25;
	v23 =	vld.idx.msk [tilespmem:v23+s2+$0x0], $0xffff  }
0xd7: {  	v22 =	vimm.f32 $+Inf;
	s17 =	simm.s32 $0x20;
	v21 =	vimm.s32 $0x40000000  }
.LBB2_18:
0xd8: {  	v25 =	vmov s17;
	p0 =	sne.s32 s17, $0x3F0;
	s18 =	smov.u32 s17;
	s17 =	sadd.s32 $0x10, s17  }
.Ltmp10:
0xd9: {  	v25 =	vshll.u32 v25, $0x3;
	(pc) =	sbr.rel @p0 .LBB2_18-.Ltmp10, $4  }
0xda: {  	v26 =	vor.u32 s18, v0;
	v25 =	vand.u32 $0x1C00, v25  }
0xdb: {  	v27 =	vand.u32 $0x7F, v26;
	vm3 =	vlt.f32 v23, v22;
	v28 =	vmovc v23;
	v25 =	vor.u32 v25, v20;
	v23 =	vld.idx.msk [tilespmem:v24+s2+$0x0], $0xffff  }
0xdc: {  	v22 =	vsel vm3, v28, v22;
	v21 =	vsel vm3, v18, v21;
	v18 =	vmovc v19;
	v24 =	vor.u32 v27, v25  }
0xdd: {  	v19 =	vmov v26  }
0xde: {  	_ =	sdelay $0x3  }
0xdf: {  	v20 =	vld.idx.msk [tilespmem:v24+s2+$0x0], $0xffff;
	_ =	sdelay $0x2  }
0xe0: {  	vm3 =	vlt.f32 v23, v22  }
0xe1: {  	v22 =	vsel vm3, v23, v22  }
0xe2: {  	vm4 =	vlt.f32 v20, v22  }
0xe3: {  	v20 =	vsel vm4, v20, v22  }
0xe4: {  	(xrf0) =	vmin.scan.msk.f32 $0xffff, v20;
	_ =	sdelay $0x5  }
0xe5: {  	s16 =	sxor.u32 $0x80000000, s16;
	v61, _, _ =	vpop (xrf0)  }
0xe6: {  	v63 =	vmov s16;
	v18 =	vsel vm3, v18, v21;
	v62 =	vbroadcast v61, $0xF  }
0xe7: {  	vm3 =	vne.s32 v63, v0;
	v18 =	vsel vm4, v19, v18  }
0xe8: {  	vm2 =	vmand vm2, vm3;
	v18 =	vxor.u32 $0x80000000, v18;
	vm3 =	veq.f32 v20, v62  }
0xe9: {  	v19 =	vsel vm2, $0x1, v9;
	v18 =	vnsel vm3, $0xC0000000, v18  }
0xea: {  	(xrf0) =	vmin.scan.msk.u32 $0xffff, v18;
	v18 =	vor.u32 $0x80000000, v19  }
0xeb: {  	(xrf0) =	vmax.scan.msk.u32 $0xffff, v18;
	_ =	sdelay $0x4  }
0xec: {  	v18, _, _ =	vpop (xrf0)  }
0xed: {  	(v2sf) =	vpush v18, $0xF;
	v18, _, _ =	vpop (xrf0)  }
0xee: {  	(v2sf) =	vpush v18, $0xF;
	_ =	sdelay $0xd  }
0xef: {  	s31 =	spop (v2sf)  }
0xf0: {  	s17 =	spop (v2sf)  }
0xf1: {  	p0 =	sgt.u32 s17, $0x80000000  }
.Ltmp11:
0xf2: {  	_ = 	snop;
	(pc) =	sbr.rel @p0 .LBB2_17-.Ltmp11, $3  }
0xf3: {  	_ =	sdelay $0x1  }
0xf4: {  	vm3 =	veq.s32 v63, v0;
	s16 =	sxor.u32 $0x80000000, s31  }
0xf5: {  	v11 =	vsel vm3, v62, v11;
	v15 =	vsel vm3, s16, v15  }
.LBB2_6:
0xf6: {  	v18 =	vsel vm1, $0x1, v9  }
0xf7: {  	v18 =	vor.u32 $0x80000000, v18  }
0xf8: {  	(xrf0) =	vmax.scan.msk.u32 $0xffff, v18;
	_ =	sdelay $0x5  }
0xf9: {  	v18, _, _ =	vpop (xrf0)  }
0xfa: {  	(v2sf) =	vpush v18, $0xF;
	_ =	sdelay $0xe  }
0xfb: {  	s16 =	spop (v2sf)  }
0xfc: {  	p0 =	sgt.u32 s16, $0x80000000  }
.Ltmp12:
0xfd: {  	_ = 	snop;
	(pc) =	sbr.rel @!p0 .LBB2_7-.Ltmp12, $1  }
0xfe: {  	_ =	sdelay $0x3  }
.LBB2_20:
0xff: {  	v18 =	vmctz.xlane vm1;
	_ =	sdelay $0x1  }
0x100: {  	v18 =	vxor.u32 $0x80000000, v18  }
0x101: {  	(xrf0) =	vmin.scan.msk.u32 $0xffff, v18;
	_ =	sdelay $0x5  }
0x102: {  	v18, _, _ =	vpop (xrf0)  }
0x103: {  	(v2sf) =	vpush v18, $0xF;
	_ =	sdelay $0xe  }
0x104: {  	s16 =	spop (v2sf)  }
0x105: {  	s17 =	sadd.s32 $0x80000020, s16  }
0x106: {  	s30 =	simm.s32 $0x0;
	v18 =	vmov s17  }
0x107: {  	v20 =	vmov s30;
	v19 =	vshll.u32 v18, $0xA;
	v18 =	vshll.u32 v18, $0x7  }
0x108: {  	v21 =	vshll.u32 v20, $0x3;
	v19 =	vand.u32 $0xFFFFE000, v19;
	v18 =	vand.u32 $0x380, v18  }
0x109: {  	v20 =	vor.u32 v19, v18;
	v18 =	vor.u32 s30, v0;
	v19 =	vand.u32 $0x1C00, v21  }
0x10a: {  	v21 =	vand.u32 $0x7F, v18;
	v19 =	vor.u32 v19, v20  }
0x10b: {  	s31 =	simm.s32 $0x10;
	v23 =	vor.u32 v21, v19  }
0x10c: {  	v19 =	vmov s31  }
0x10d: {  	v21 =	vshll.u32 v19, $0x3  }
0x10e: {  	v19 =	vor.u32 s31, v0;
	v21 =	vand.u32 $0x1C00, v21  }
0x10f: {  	v24 =	vand.u32 $0x7F, v19;
	v25 =	vor.u32 v21, v20  }
0x110: {  	v24 =	vor.u32 v24, v25;
	v23 =	vld.idx.msk [tilespmem:v23+s2+$0x0], $0xffff  }
0x111: {  	v22 =	vimm.f32 $+Inf;
	s17 =	simm.s32 $0x20;
	v21 =	vimm.s32 $0x40000000  }
.LBB2_21:
0x112: {  	v25 =	vmov s17;
	p0 =	sne.s32 s17, $0x3F0;
	s18 =	smov.u32 s17;
	s17 =	sadd.s32 $0x10, s17  }
.Ltmp13:
0x113: {  	v25 =	vshll.u32 v25, $0x3;
	(pc) =	sbr.rel @p0 .LBB2_21-.Ltmp13, $4  }
0x114: {  	v26 =	vor.u32 s18, v0;
	v25 =	vand.u32 $0x1C00, v25  }
0x115: {  	v27 =	vand.u32 $0x7F, v26;
	vm2 =	vlt.f32 v23, v22;
	v28 =	vmovc v23;
	v25 =	vor.u32 v25, v20;
	v23 =	vld.idx.msk [tilespmem:v24+s2+$0x0], $0xffff  }
0x116: {  	v22 =	vsel vm2, v28, v22;
	v21 =	vsel vm2, v18, v21;
	v18 =	vmovc v19;
	v24 =	vor.u32 v27, v25  }
0x117: {  	v19 =	vmov v26  }
0x118: {  	_ =	sdelay $0x3  }
0x119: {  	v20 =	vld.idx.msk [tilespmem:v24+s2+$0x0], $0xffff;
	_ =	sdelay $0x2  }
0x11a: {  	vm2 =	vlt.f32 v23, v22  }
0x11b: {  	v22 =	vsel vm2, v23, v22  }
0x11c: {  	vm3 =	vlt.f32 v20, v22  }
0x11d: {  	v20 =	vsel vm3, v20, v22  }
0x11e: {  	(xrf0) =	vmin.scan.msk.f32 $0xffff, v20;
	_ =	sdelay $0x5  }
0x11f: {  	s16 =	sxor.u32 $0x80000000, s16;
	v61, _, _ =	vpop (xrf0)  }
0x120: {  	v63 =	vmov s16;
	v18 =	vsel vm2, v18, v21;
	v62 =	vbroadcast v61, $0xF  }
0x121: {  	vm2 =	vne.s32 v63, v0;
	v18 =	vsel vm3, v19, v18  }
0x122: {  	vm1 =	vmand vm1, vm2;
	v18 =	vxor.u32 $0x80000000, v18;
	vm2 =	veq.f32 v20, v62  }
0x123: {  	v19 =	vsel vm1, $0x1, v9;
	v18 =	vnsel vm2, $0xC0000000, v18  }
0x124: {  	(xrf0) =	vmin.scan.msk.u32 $0xffff, v18;
	v18 =	vor.u32 $0x80000000, v19  }
0x125: {  	(xrf0) =	vmax.scan.msk.u32 $0xffff, v18;
	_ =	sdelay $0x4  }
0x126: {  	v18, _, _ =	vpop (xrf0)  }
0x127: {  	(v2sf) =	vpush v18, $0xF;
	v18, _, _ =	vpop (xrf0)  }
0x128: {  	(v2sf) =	vpush v18, $0xF;
	_ =	sdelay $0xd  }
0x129: {  	s31 =	spop (v2sf)  }
0x12a: {  	s17 =	spop (v2sf)  }
0x12b: {  	p0 =	sgt.u32 s17, $0x80000000  }
.Ltmp14:
0x12c: {  	_ = 	snop;
	(pc) =	sbr.rel @p0 .LBB2_20-.Ltmp14, $3  }
0x12d: {  	_ =	sdelay $0x1  }
0x12e: {  	vm2 =	veq.s32 v63, v0;
	s16 =	sxor.u32 $0x80000000, s31  }
0x12f: {  	v12 =	vsel vm2, v62, v12;
	v16 =	vsel vm2, s16, v16  }
.LBB2_7:
0x130: {  	v18 =	vsel vm0, $0x1, v9  }
0x131: {  	v18 =	vor.u32 $0x80000000, v18  }
0x132: {  	(xrf0) =	vmax.scan.msk.u32 $0xffff, v18;
	_ =	sdelay $0x5  }
0x133: {  	v18, _, _ =	vpop (xrf0)  }
0x134: {  	(v2sf) =	vpush v18, $0xF;
	_ =	sdelay $0xe  }
0x135: {  	s16 =	spop (v2sf)  }
0x136: {  	p0 =	sgt.u32 s16, $0x80000000  }
.Ltmp15:
0x137: {  	_ = 	snop;
	(pc) =	sbr.rel @!p0 .LBB2_11-.Ltmp15, $1  }
0x138: {  	_ =	sdelay $0x3  }
.LBB2_8:
0x139: {  	v18 =	vmctz.xlane vm0;
	_ =	sdelay $0x1  }
0x13a: {  	v18 =	vxor.u32 $0x80000000, v18  }
0x13b: {  	(xrf0) =	vmin.scan.msk.u32 $0xffff, v18;
	_ =	sdelay $0x5  }
0x13c: {  	v18, _, _ =	vpop (xrf0)  }
0x13d: {  	(v2sf) =	vpush v18, $0xF;
	_ =	sdelay $0xe  }
0x13e: {  	s16 =	spop (v2sf)  }
0x13f: {  	s17 =	sadd.s32 $0x80000030, s16  }
0x140: {  	s30 =	simm.s32 $0x0;
	v18 =	vmov s17  }
0x141: {  	v20 =	vmov s30;
	v19 =	vshll.u32 v18, $0xA;
	v18 =	vshll.u32 v18, $0x7  }
0x142: {  	v21 =	vshll.u32 v20, $0x3;
	v19 =	vand.u32 $0xFFFFE000, v19;
	v18 =	vand.u32 $0x380, v18  }
0x143: {  	v20 =	vor.u32 v19, v18;
	v18 =	vor.u32 s30, v0;
	v19 =	vand.u32 $0x1C00, v21  }
0x144: {  	v21 =	vand.u32 $0x7F, v18;
	v19 =	vor.u32 v19, v20  }
0x145: {  	s31 =	simm.s32 $0x10;
	v23 =	vor.u32 v21, v19  }
0x146: {  	v19 =	vmov s31  }
0x147: {  	v21 =	vshll.u32 v19, $0x3  }
0x148: {  	v19 =	vor.u32 s31, v0;
	v21 =	vand.u32 $0x1C00, v21  }
0x149: {  	v24 =	vand.u32 $0x7F, v19;
	v25 =	vor.u32 v21, v20  }
0x14a: {  	v24 =	vor.u32 v24, v25;
	v23 =	vld.idx.msk [tilespmem:v23+s2+$0x0], $0xffff  }
0x14b: {  	v22 =	vimm.f32 $+Inf;
	s17 =	simm.s32 $0x20;
	v21 =	vimm.s32 $0x40000000  }
.LBB2_9:
0x14c: {  	v25 =	vmov s17;
	p0 =	sne.s32 s17, $0x3F0;
	s18 =	smov.u32 s17;
	s17 =	sadd.s32 $0x10, s17  }
.Ltmp16:
0x14d: {  	v25 =	vshll.u32 v25, $0x3;
	(pc) =	sbr.rel @p0 .LBB2_9-.Ltmp16, $4  }
0x14e: {  	v26 =	vor.u32 s18, v0;
	v25 =	vand.u32 $0x1C00, v25  }
0x14f: {  	v27 =	vand.u32 $0x7F, v26;
	vm1 =	vlt.f32 v23, v22;
	v28 =	vmovc v23;
	v25 =	vor.u32 v25, v20;
	v23 =	vld.idx.msk [tilespmem:v24+s2+$0x0], $0xffff  }
0x150: {  	v22 =	vsel vm1, v28, v22;
	v21 =	vsel vm1, v18, v21;
	v18 =	vmovc v19;
	v24 =	vor.u32 v27, v25  }
0x151: {  	v19 =	vmov v26  }
0x152: {  	_ =	sdelay $0x3  }
0x153: {  	v20 =	vld.idx.msk [tilespmem:v24+s2+$0x0], $0xffff;
	_ =	sdelay $0x2  }
0x154: {  	vm1 =	vlt.f32 v23, v22  }
0x155: {  	v22 =	vsel vm1, v23, v22  }
0x156: {  	vm2 =	vlt.f32 v20, v22  }
0x157: {  	v20 =	vsel vm2, v20, v22  }
0x158: {  	(xrf0) =	vmin.scan.msk.f32 $0xffff, v20;
	_ =	sdelay $0x5  }
0x159: {  	s16 =	sxor.u32 $0x80000000, s16;
	v61, _, _ =	vpop (xrf0)  }
0x15a: {  	v63 =	vmov s16;
	v18 =	vsel vm1, v18, v21;
	v62 =	vbroadcast v61, $0xF  }
0x15b: {  	vm1 =	vne.s32 v63, v0;
	v18 =	vsel vm2, v19, v18  }
0x15c: {  	vm0 =	vmand vm0, vm1;
	v18 =	vxor.u32 $0x80000000, v18;
	vm1 =	veq.f32 v20, v62  }
0x15d: {  	v19 =	vsel vm0, $0x1, v9;
	v18 =	vnsel vm1, $0xC0000000, v18  }
0x15e: {  	(xrf0) =	vmin.scan.msk.u32 $0xffff, v18;
	v18 =	vor.u32 $0x80000000, v19  }
0x15f: {  	(xrf0) =	vmax.scan.msk.u32 $0xffff, v18;
	_ =	sdelay $0x4  }
0x160: {  	v18, _, _ =	vpop (xrf0)  }
0x161: {  	(v2sf) =	vpush v18, $0xF;
	v18, _, _ =	vpop (xrf0)  }
0x162: {  	(v2sf) =	vpush v18, $0xF;
	_ =	sdelay $0xd  }
0x163: {  	s31 =	spop (v2sf)  }
0x164: {  	s17 =	spop (v2sf)  }
0x165: {  	p0 =	sgt.u32 s17, $0x80000000  }
.Ltmp17:
0x166: {  	_ = 	snop;
	(pc) =	sbr.rel @p0 .LBB2_8-.Ltmp17, $4  }
.Ltmp18:
0x167: {  	_ = 	snop;
	(pc) =	sbr.rel @!p0 .LBB2_11-.Ltmp18, $4  }
0x168: {  	_ = 	snop  }
0x169: {  	vm1 =	veq.s32 v63, v0;
	s16 =	sxor.u32 $0x80000000, s31  }
0x16a: {  	v13 =	vsel vm1, v62, v13;
	v17 =	vsel vm1, s16, v17  }
0x16b: {  	_ = 	snop  }
.LBB2_13:
0x16c: {  	_ =	sfence.sel $0x180000  }
0x16d: {  	[bflag:$0x0] =	sbarrier.arrive $0xFFFF  }
0x16e: {  	p0 =	sne.s32 s1, $0x0;
	_ =	strace $0x90000047  }
0x16f: {  	s0 =	sadd.s32 @!p0 $0x100000, s0;
	[bflag:$0x2] =	sbarrier.arrive $0xFFFF  }
0x170: {  	[sflag:s0] =	ssyncadd.tile.s32 @!p0 $0x1;
	_ =	shalt  }
.Lfunc_end2:
_tile_overlayer_lowered:
.L_overlay_start_2:
0x171: {  	(tag) =	ssettag $0x2  }
0x172: {  	s0 =	rddreg [dreg:$0x0];
	s2 =	stileid.u32  }
0x173: {  	s1 =	rddreg [dreg:$0x1];
	p0 =	sne.s32 s2, $0x0  }
0x174: {  	s3 =	rddreg [dreg:$0x2];
	[bflag:$0x3] =	sbarrier.arrive $0xFFFF;
	s2 =	simm.s32 @!p0 $0x1C01  }
0x175: {  	[timem:s3], [sflag:s2] =	dma.local @!p0 [hbm:s0], s1  }
0x176: {  	s0 =	simm.s32 @!p0 $0x1  }
0x177: {  	_ =	swait.ge @!p0 [sflag:s0], s1  }
0x178: {  	s1 =	ssub.s32 @!p0 $0x0, s1;
	[sflag:s0] =	ssyncset.done @!p0 $0x0  }
0x179: {  	[sflag:s0] =	ssyncadd.s32 @!p0 s1  }
0x17a: {  	[bflag:$0x3] =	sbarrier.arrive $0xFFFF  }
0x17b: {  	_ =	shalt  }

</sc_bundles>
